<compile_context>
chip_gen: v7x
topology: tpu7x:2x2x1
jax: 0.10.2.dev20260603
libtpu: 0.0.44.dev20260713+nightly
codegen_flags: <defaults>
</compile_context>

<pallas_src>
import functools

import jax
import jax.numpy as jnp
from jax import lax
from jax.experimental import pallas as pl
from jax.experimental.pallas import tpu as pltpu
from jax.experimental.pallas import tpu_sc as plsc

BATCH = 16384
DIM = 256
HALF = 128
LANES = 16
NC = 2
NS = 16
NW = NC * NS
PER_W = BATCH // NW
CHUNK = 32
NCHUNK = PER_W // CHUNK
NBUF = 4
DEPTH = 2


def _score_acc(t, hb, rb, tb):
    acc = jnp.zeros((LANES,), jnp.float32)
    for k in range(HALF // LANES):
        lo = k * LANES
        rh = hb[t, pl.ds(lo, LANES)]
        ih = hb[t, pl.ds(HALF + lo, LANES)]
        rr = rb[t, pl.ds(lo, LANES)]
        ir = rb[t, pl.ds(HALF + lo, LANES)]
        rt = tb[t, pl.ds(lo, LANES)]
        it = tb[t, pl.ds(HALF + lo, LANES)]
        re_s = rr * rt + ir * it
        im_s = rr * it - ir * rt
        acc = acc + rh * re_s + ih * im_s
    return acc


def _make_kernel():
    mesh = plsc.VectorSubcoreMesh(core_axis_name="c", subcore_axis_name="s")

    @functools.partial(
        pl.kernel,
        mesh=mesh,
        out_type=jax.ShapeDtypeStruct((NW, PER_W), jnp.float32),
        scratch_types=[
            pltpu.VMEM((3, NCHUNK, CHUNK), jnp.int32),
            pltpu.VMEM((NBUF * CHUNK, DIM), jnp.float32),
            pltpu.VMEM((NBUF * CHUNK, DIM), jnp.float32),
            pltpu.VMEM((NBUF * CHUNK, DIM), jnp.float32),
            pltpu.VMEM((PER_W,), jnp.float32),
            pltpu.VMEM((CHUNK * LANES,), jnp.float32),
            pltpu.SemaphoreType.DMA,
            pltpu.SemaphoreType.DMA,
            pltpu.SemaphoreType.DMA,
            pltpu.SemaphoreType.DMA,
        ],
    )
    def compl_ex_sc(idx_hbm, ent_hbm, rel_hbm, out_hbm,
                    idx_v, hbuf, rbuf, tbuf, out_v, acc_v, s0, s1, s2, s3):
        wid = lax.axis_index("s") * NC + lax.axis_index("c")
        lane = lax.iota(jnp.int32, LANES)
        sems = (s0, s1, s2, s3)

        pltpu.sync_copy(idx_hbm.at[wid], idx_v)

        def bufs(b):
            sl = pl.ds(b * CHUNK, CHUNK)
            return hbuf.at[sl], rbuf.at[sl], tbuf.at[sl]

        def fire(c, b):
            hb, rb, tb = bufs(b)
            pltpu.async_copy(ent_hbm.at[idx_v.at[0, c]], hb, sems[b])
            pltpu.async_copy(rel_hbm.at[idx_v.at[1, c]], rb, sems[b])
            pltpu.async_copy(ent_hbm.at[idx_v.at[2, c]], tb, sems[b])

        def drain(c, b):
            hb, rb, tb = bufs(b)
            pltpu.make_async_copy(
                ent_hbm.at[idx_v.at[0, c]], hb, sems[b]).wait()
            pltpu.make_async_copy(
                rel_hbm.at[idx_v.at[1, c]], rb, sems[b]).wait()
            pltpu.make_async_copy(
                ent_hbm.at[idx_v.at[2, c]], tb, sems[b]).wait()

        for p in range(DEPTH):
            fire(p, p)

        def chunk_body(c, carry):
            parity = c & (NBUF - 1)
            nxt = c + DEPTH < NCHUNK

            for p in range(NBUF):

                @pl.when(nxt & (parity == p))
                def _(p=p):
                    fire(c + DEPTH, (p + DEPTH) & (NBUF - 1))

            for p in range(NBUF):

                @pl.when(parity == p)
                def _(p=p):
                    drain(c, p)

            boff = pl.multiple_of(parity * CHUNK, CHUNK)

            def body(t):
                acc = _score_acc(boff + t, hbuf, rbuf, tbuf)
                for m in (8, 4, 2, 1):
                    acc = acc + acc.at[lane ^ m].get(mode="promise_in_bounds")
                acc_v[pl.ds(pl.multiple_of(t * LANES, LANES), LANES)] = acc

            plsc.parallel_loop(0, CHUNK, 1, unroll=2)(body)

            for g in range(CHUNK // LANES):
                res = jnp.zeros((LANES,), jnp.float32)
                for j in range(LANES):
                    v = acc_v[pl.ds((g * LANES + j) * LANES, LANES)]
                    res = jnp.where(lane == j, v, res)
                base = pl.multiple_of(c * CHUNK, CHUNK) + g * LANES
                out_v[pl.ds(base, LANES)] = res

            return carry

        lax.fori_loop(0, NCHUNK, chunk_body, 0)
        pltpu.sync_copy(out_v, out_hbm.at[wid])

    return compl_ex_sc


_compl_ex = _make_kernel()


def kernel(triplet_idx, entity_embedding, relation_embedding):
    idx = triplet_idx.reshape(BATCH, 3).astype(jnp.int32)
    idx = idx.T.reshape(3, NW, NCHUNK, CHUNK).transpose(1, 0, 2, 3)
    out = _compl_ex(idx, entity_embedding, relation_embedding)
    return out.reshape(BATCH, 1)

# --- scband reference (transcript-rebuilt; emitter-appended) ---
"""Pipeline reference for scband-compl-ex-57621281243343 (READ-ONLY COPY).

The authoritative reference and input builder live on the scoring server;
editing this copy changes nothing except your own understanding.
"""

import jax, jax.numpy as jnp
import numpy as np

ENTITY_DICT_LEN = 100000
RELATION_DICT_LEN = 100000
EMBEDDING_DIM = 128
ENTITY_DIM = EMBEDDING_DIM * 2
RELATION_DIM = EMBEDDING_DIM * 2
GAMMA = 6.0
EPSILON = 2.0
EMBEDDING_RANGE = (GAMMA + EPSILON) / EMBEDDING_DIM
BATCH = 16384


def setup_inputs(seed: int = 0) -> dict:
    key = jax.random.key(seed)
    k1, k2, k3 = jax.random.split(key, 3)
    triplet_idx = jax.random.randint(k1, (BATCH, 3, 1), 0, 100000, dtype=jnp.int64 if jax.config.jax_enable_x64 else jnp.int32)
    entity_embedding = jax.random.uniform(k2, (ENTITY_DICT_LEN, ENTITY_DIM), dtype=jnp.float32, minval=-EMBEDDING_RANGE, maxval=EMBEDDING_RANGE)
    relation_embedding = jax.random.uniform(k3, (RELATION_DICT_LEN, RELATION_DIM), dtype=jnp.float32, minval=-EMBEDDING_RANGE, maxval=EMBEDDING_RANGE)
    return {"triplet_idx": triplet_idx, "entity_embedding": entity_embedding, "relation_embedding": relation_embedding}


def reference(triplet_idx, entity_embedding, relation_embedding):
    # _forward: embedding lookups (gather rows)
    head_embedding = jnp.take(entity_embedding, triplet_idx[:, 0], axis=0)      # [B, L, 2*dim]
    relation_emb = jnp.take(relation_embedding, triplet_idx[:, 1], axis=0)      # [B, L, 2*dim]
    tail_embedding = jnp.take(entity_embedding, triplet_idx[:, 2], axis=0)      # [B, L, 2*dim]

    re_head, im_head = jnp.split(head_embedding, 2, axis=2)
    re_relation, im_relation = jnp.split(relation_emb, 2, axis=2)
    re_tail, im_tail = jnp.split(tail_embedding, 2, axis=2)

    # mode == 'head-batch'
    re_score = re_relation * re_tail + im_relation * im_tail
    im_score = re_relation * im_tail - im_relation * re_tail
    score = re_head * re_score + im_head * im_score

    score = score.sum(axis=2)
    return score

if __name__ == "__main__":
    import jax
    _d = setup_inputs()
    print(jax.jit(kernel)(*tuple(_d.values())))

</pallas_src>

<mosaic_0001>
#map = affine_map<(d0, d1) -> (0, 0, 0, 0)>
#map1 = affine_map<(d0, d1) -> (0, 0)>
module attributes {stable_mosaic.version = 14 : i64} {
  func.func @compl_ex_sc(%arg0: i32, %arg1: i32, %arg2: memref<32x3x16x32xi32, #tpu.memory_space<hbm>>, %arg3: memref<100000x256xf32, #tpu.memory_space<hbm>>, %arg4: memref<100000x256xf32, #tpu.memory_space<hbm>>, %arg5: memref<32x512xf32, #tpu.memory_space<hbm>>, %arg6: memref<3x16x32xi32, #tpu.memory_space<vmem>>, %arg7: memref<128x256xf32, #tpu.memory_space<vmem>>, %arg8: memref<128x256xf32, #tpu.memory_space<vmem>>, %arg9: memref<128x256xf32, #tpu.memory_space<vmem>>, %arg10: memref<512xf32, #tpu.memory_space<vmem>>, %arg11: memref<512xf32, #tpu.memory_space<vmem>>, %arg12: memref<!tpu.dma_semaphore, #tpu.memory_space<semaphore_mem>>, %arg13: memref<!tpu.dma_semaphore, #tpu.memory_space<semaphore_mem>>, %arg14: memref<!tpu.dma_semaphore, #tpu.memory_space<semaphore_mem>>, %arg15: memref<!tpu.dma_semaphore, #tpu.memory_space<semaphore_mem>>) attributes {dimension_semantics = [#tpu.dimension_semantics<core_parallel>, #tpu.dimension_semantics<subcore_parallel>], iteration_bounds = array<i64: 2, 16>, scalar_prefetch = 0 : i64, scratch_operands = 10 : i64, tpu.core_type = #tpu.core_type<sc_vector_subcore>, window_params = [{transform_indices = #map}, {transform_indices = #map1}, {transform_indices = #map1}, {transform_indices = #map1}]} {
    %mul3A = arith.constant 2 : i32
    %mul3A_0 = arith.muli %arg1, %mul3A : i32
    %add3A = arith.addi %mul3A_0, %arg0 : i32
    %iota3A = tpu.iota {dimensions = array<i32: 0>} : vector<16xi32>
    "tpu.region"() ({
      %run_scoped3A = tpu.sem_alloc : memref<!tpu.dma_semaphore, #tpu.memory_space<semaphore_mem>>
      %dma_start3A_71 = arith.constant 0 : i32
      %dma_start3A_72 = arith.constant 0 : i32
      %dma_start3A_73 = arith.constant 0 : i32
      %dma_start3A_74 = tpu.memref_slice %arg2[%add3A, %dma_start3A_71, %dma_start3A_72, %dma_start3A_73] : memref<32x3x16x32xi32, #tpu.memory_space<hbm>> -> memref<1x3x16x32xi32, #tpu.memory_space<hbm>>
      %dma_start3A_75 = tpu.memref_squeeze %dma_start3A_74 : memref<1x3x16x32xi32, #tpu.memory_space<hbm>> -> memref<3x16x32xi32, #tpu.memory_space<hbm>>
      %dma_start3A_76 = arith.constant 0 : i32
      %dma_start3A_77 = arith.constant 0 : i32
      %dma_start3A_78 = arith.constant 0 : i32
      %dma_start3A_79 = tpu.memref_slice %arg2[%add3A, %dma_start3A_76, %dma_start3A_77, %dma_start3A_78] : memref<32x3x16x32xi32, #tpu.memory_space<hbm>> -> memref<1x3x16x32xi32, #tpu.memory_space<hbm>>
      %dma_start3A_80 = tpu.memref_squeeze %dma_start3A_79 : memref<1x3x16x32xi32, #tpu.memory_space<hbm>> -> memref<3x16x32xi32, #tpu.memory_space<hbm>>
      tpu.enqueue_dma source(%dma_start3A_80 : memref<3x16x32xi32, #tpu.memory_space<hbm>>) target(%arg6 : memref<3x16x32xi32, #tpu.memory_space<vmem>>) target_semaphore(%run_scoped3A : memref<!tpu.dma_semaphore, #tpu.memory_space<semaphore_mem>>)
      %dma_wait3A = arith.constant 0 : i32
      %dma_wait3A_81 = arith.constant 0 : i32
      %dma_wait3A_82 = arith.constant 0 : i32
      %dma_wait3A_83 = tpu.memref_slice %arg2[%add3A, %dma_wait3A, %dma_wait3A_81, %dma_wait3A_82] : memref<32x3x16x32xi32, #tpu.memory_space<hbm>> -> memref<1x3x16x32xi32, #tpu.memory_space<hbm>>
      %dma_wait3A_84 = tpu.memref_squeeze %dma_wait3A_83 : memref<1x3x16x32xi32, #tpu.memory_space<hbm>> -> memref<3x16x32xi32, #tpu.memory_space<hbm>>
      %dma_wait3A_85 = arith.constant 0 : i32
      %dma_wait3A_86 = arith.constant 0 : i32
      %dma_wait3A_87 = arith.constant 0 : i32
      %dma_wait3A_88 = tpu.memref_slice %arg2[%add3A, %dma_wait3A_85, %dma_wait3A_86, %dma_wait3A_87] : memref<32x3x16x32xi32, #tpu.memory_space<hbm>> -> memref<1x3x16x32xi32, #tpu.memory_space<hbm>>
      %dma_wait3A_89 = tpu.memref_squeeze %dma_wait3A_88 : memref<1x3x16x32xi32, #tpu.memory_space<hbm>> -> memref<3x16x32xi32, #tpu.memory_space<hbm>>
      tpu.wait_dma2 semaphore(%run_scoped3A : memref<!tpu.dma_semaphore, #tpu.memory_space<semaphore_mem>>) src(%dma_wait3A_89 : memref<3x16x32xi32, #tpu.memory_space<hbm>>) dst(%arg6 : memref<3x16x32xi32, #tpu.memory_space<vmem>>)
      tpu.yield
    }) : () -> ()
    %dma_start3A = arith.constant 0 : i32
    %dma_start3A_1 = arith.constant 0 : i32
    %dma_start3A_2 = arith.constant 0 : i32
    %dma_start3A_3 = arith.constant 0 : i32
    %dma_start3A_4 = tpu.memref_slice %arg7[%dma_start3A_2, %dma_start3A_3] : memref<128x256xf32, #tpu.memory_space<vmem>> -> memref<32x256xf32, #tpu.memory_space<vmem>>
    %dma_start3A_5 = arith.constant 0 : i32
    %dma_start3A_6 = tpu.memref_slice %arg6[%dma_start3A, %dma_start3A_1, %dma_start3A_5] : memref<3x16x32xi32, #tpu.memory_space<vmem>> -> memref<1x1x32xi32, #tpu.memory_space<vmem>>
    %dma_start3A_7 = tpu.memref_squeeze %dma_start3A_6 : memref<1x1x32xi32, #tpu.memory_space<vmem>> -> memref<32xi32, #tpu.memory_space<vmem>>
    %dma_start3A_8 = arith.constant 0 : i32
    %dma_start3A_9 = arith.constant 0 : i32
    %dma_start3A_10 = tpu.memref_slice %arg3[%dma_start3A_8, %dma_start3A_9] : memref<100000x256xf32, #tpu.memory_space<hbm>> -> memref<100000x256xf32, #tpu.memory_space<hbm>>
    tpu.enqueue_indirect_dma source(%dma_start3A_10 : memref<100000x256xf32, #tpu.memory_space<hbm>>) target(%dma_start3A_4 : memref<32x256xf32, #tpu.memory_space<vmem>>) offsets(%dma_start3A_7 : memref<32xi32, #tpu.memory_space<vmem>>) semaphore(%arg12 : memref<!tpu.dma_semaphore, #tpu.memory_space<semaphore_mem>>)
    %dma_start3A_11 = arith.constant 1 : i32
    %dma_start3A_12 = arith.constant 0 : i32
    %dma_start3A_13 = arith.constant 0 : i32
    %dma_start3A_14 = arith.constant 0 : i32
    %dma_start3A_15 = tpu.memref_slice %arg8[%dma_start3A_13, %dma_start3A_14] : memref<128x256xf32, #tpu.memory_space<vmem>> -> memref<32x256xf32, #tpu.memory_space<vmem>>
    %dma_start3A_16 = arith.constant 0 : i32
    %dma_start3A_17 = tpu.memref_slice %arg6[%dma_start3A_11, %dma_start3A_12, %dma_start3A_16] : memref<3x16x32xi32, #tpu.memory_space<vmem>> -> memref<1x1x32xi32, #tpu.memory_space<vmem>>
    %dma_start3A_18 = tpu.memref_squeeze %dma_start3A_17 : memref<1x1x32xi32, #tpu.memory_space<vmem>> -> memref<32xi32, #tpu.memory_space<vmem>>
    %dma_start3A_19 = arith.constant 0 : i32
    %dma_start3A_20 = arith.constant 0 : i32
    %dma_start3A_21 = tpu.memref_slice %arg4[%dma_start3A_19, %dma_start3A_20] : memref<100000x256xf32, #tpu.memory_space<hbm>> -> memref<100000x256xf32, #tpu.memory_space<hbm>>
    tpu.enqueue_indirect_dma source(%dma_start3A_21 : memref<100000x256xf32, #tpu.memory_space<hbm>>) target(%dma_start3A_15 : memref<32x256xf32, #tpu.memory_space<vmem>>) offsets(%dma_start3A_18 : memref<32xi32, #tpu.memory_space<vmem>>) semaphore(%arg12 : memref<!tpu.dma_semaphore, #tpu.memory_space<semaphore_mem>>)
    %dma_start3A_22 = arith.constant 2 : i32
    %dma_start3A_23 = arith.constant 0 : i32
    %dma_start3A_24 = arith.constant 0 : i32
    %dma_start3A_25 = arith.constant 0 : i32
    %dma_start3A_26 = tpu.memref_slice %arg9[%dma_start3A_24, %dma_start3A_25] : memref<128x256xf32, #tpu.memory_space<vmem>> -> memref<32x256xf32, #tpu.memory_space<vmem>>
    %dma_start3A_27 = arith.constant 0 : i32
    %dma_start3A_28 = tpu.memref_slice %arg6[%dma_start3A_22, %dma_start3A_23, %dma_start3A_27] : memref<3x16x32xi32, #tpu.memory_space<vmem>> -> memref<1x1x32xi32, #tpu.memory_space<vmem>>
    %dma_start3A_29 = tpu.memref_squeeze %dma_start3A_28 : memref<1x1x32xi32, #tpu.memory_space<vmem>> -> memref<32xi32, #tpu.memory_space<vmem>>
    %dma_start3A_30 = arith.constant 0 : i32
    %dma_start3A_31 = arith.constant 0 : i32
    %dma_start3A_32 = tpu.memref_slice %arg3[%dma_start3A_30, %dma_start3A_31] : memref<100000x256xf32, #tpu.memory_space<hbm>> -> memref<100000x256xf32, #tpu.memory_space<hbm>>
    tpu.enqueue_indirect_dma source(%dma_start3A_32 : memref<100000x256xf32, #tpu.memory_space<hbm>>) target(%dma_start3A_26 : memref<32x256xf32, #tpu.memory_space<vmem>>) offsets(%dma_start3A_29 : memref<32xi32, #tpu.memory_space<vmem>>) semaphore(%arg12 : memref<!tpu.dma_semaphore, #tpu.memory_space<semaphore_mem>>)
    %dma_start3A_33 = arith.constant 0 : i32
    %dma_start3A_34 = arith.constant 1 : i32
    %dma_start3A_35 = arith.constant 32 : i32
    %dma_start3A_36 = arith.constant 0 : i32
    %dma_start3A_37 = tpu.memref_slice %arg7[%dma_start3A_35, %dma_start3A_36] : memref<128x256xf32, #tpu.memory_space<vmem>> -> memref<32x256xf32, #tpu.memory_space<vmem>>
    %dma_start3A_38 = arith.constant 0 : i32
    %dma_start3A_39 = tpu.memref_slice %arg6[%dma_start3A_33, %dma_start3A_34, %dma_start3A_38] : memref<3x16x32xi32, #tpu.memory_space<vmem>> -> memref<1x1x32xi32, #tpu.memory_space<vmem>>
    %dma_start3A_40 = tpu.memref_squeeze %dma_start3A_39 : memref<1x1x32xi32, #tpu.memory_space<vmem>> -> memref<32xi32, #tpu.memory_space<vmem>>
    %dma_start3A_41 = arith.constant 0 : i32
    %dma_start3A_42 = arith.constant 0 : i32
    %dma_start3A_43 = tpu.memref_slice %arg3[%dma_start3A_41, %dma_start3A_42] : memref<100000x256xf32, #tpu.memory_space<hbm>> -> memref<100000x256xf32, #tpu.memory_space<hbm>>
    tpu.enqueue_indirect_dma source(%dma_start3A_43 : memref<100000x256xf32, #tpu.memory_space<hbm>>) target(%dma_start3A_37 : memref<32x256xf32, #tpu.memory_space<vmem>>) offsets(%dma_start3A_40 : memref<32xi32, #tpu.memory_space<vmem>>) semaphore(%arg13 : memref<!tpu.dma_semaphore, #tpu.memory_space<semaphore_mem>>)
    %dma_start3A_44 = arith.constant 1 : i32
    %dma_start3A_45 = arith.constant 1 : i32
    %dma_start3A_46 = arith.constant 32 : i32
    %dma_start3A_47 = arith.constant 0 : i32
    %dma_start3A_48 = tpu.memref_slice %arg8[%dma_start3A_46, %dma_start3A_47] : memref<128x256xf32, #tpu.memory_space<vmem>> -> memref<32x256xf32, #tpu.memory_space<vmem>>
    %dma_start3A_49 = arith.constant 0 : i32
    %dma_start3A_50 = tpu.memref_slice %arg6[%dma_start3A_44, %dma_start3A_45, %dma_start3A_49] : memref<3x16x32xi32, #tpu.memory_space<vmem>> -> memref<1x1x32xi32, #tpu.memory_space<vmem>>
    %dma_start3A_51 = tpu.memref_squeeze %dma_start3A_50 : memref<1x1x32xi32, #tpu.memory_space<vmem>> -> memref<32xi32, #tpu.memory_space<vmem>>
    %dma_start3A_52 = arith.constant 0 : i32
    %dma_start3A_53 = arith.constant 0 : i32
    %dma_start3A_54 = tpu.memref_slice %arg4[%dma_start3A_52, %dma_start3A_53] : memref<100000x256xf32, #tpu.memory_space<hbm>> -> memref<100000x256xf32, #tpu.memory_space<hbm>>
    tpu.enqueue_indirect_dma source(%dma_start3A_54 : memref<100000x256xf32, #tpu.memory_space<hbm>>) target(%dma_start3A_48 : memref<32x256xf32, #tpu.memory_space<vmem>>) offsets(%dma_start3A_51 : memref<32xi32, #tpu.memory_space<vmem>>) semaphore(%arg13 : memref<!tpu.dma_semaphore, #tpu.memory_space<semaphore_mem>>)
    %dma_start3A_55 = arith.constant 2 : i32
    %dma_start3A_56 = arith.constant 1 : i32
    %dma_start3A_57 = arith.constant 32 : i32
    %dma_start3A_58 = arith.constant 0 : i32
    %dma_start3A_59 = tpu.memref_slice %arg9[%dma_start3A_57, %dma_start3A_58] : memref<128x256xf32, #tpu.memory_space<vmem>> -> memref<32x256xf32, #tpu.memory_space<vmem>>
    %dma_start3A_60 = arith.constant 0 : i32
    %dma_start3A_61 = tpu.memref_slice %arg6[%dma_start3A_55, %dma_start3A_56, %dma_start3A_60] : memref<3x16x32xi32, #tpu.memory_space<vmem>> -> memref<1x1x32xi32, #tpu.memory_space<vmem>>
    %dma_start3A_62 = tpu.memref_squeeze %dma_start3A_61 : memref<1x1x32xi32, #tpu.memory_space<vmem>> -> memref<32xi32, #tpu.memory_space<vmem>>
    %dma_start3A_63 = arith.constant 0 : i32
    %dma_start3A_64 = arith.constant 0 : i32
    %dma_start3A_65 = tpu.memref_slice %arg3[%dma_start3A_63, %dma_start3A_64] : memref<100000x256xf32, #tpu.memory_space<hbm>> -> memref<100000x256xf32, #tpu.memory_space<hbm>>
    tpu.enqueue_indirect_dma source(%dma_start3A_65 : memref<100000x256xf32, #tpu.memory_space<hbm>>) target(%dma_start3A_59 : memref<32x256xf32, #tpu.memory_space<vmem>>) offsets(%dma_start3A_62 : memref<32xi32, #tpu.memory_space<vmem>>) semaphore(%arg13 : memref<!tpu.dma_semaphore, #tpu.memory_space<semaphore_mem>>)
    %scan3A = arith.constant 0 : i32
    %scan3A_66 = arith.constant 0 : i32
    %scan3A_67 = arith.constant 16 : i32
    %scan3A_68 = arith.addi %scan3A_66, %scan3A_67 : i32
    %scan3A_69 = arith.constant 1 : i32
    scf.for %scan3A_71 = %scan3A_66 to %scan3A_68 step %scan3A_69  : i32 {
      %and3A = arith.constant 3 : i32
      %and3A_72 = arith.andi %scan3A_71, %and3A : i32
      %add3A_73 = arith.constant 2 : i32
      %add3A_74 = arith.addi %scan3A_71, %add3A_73 : i32
      %lt3A = arith.constant 16 : i32
      %lt3A_75 = arith.cmpi slt, %add3A_74, %lt3A : i32
      %eq3A = arith.constant 0 : i32
      %eq3A_76 = arith.cmpi eq, %and3A_72, %eq3A : i32
      %and3A_77 = arith.andi %lt3A_75, %eq3A_76 : i1
      %convert_element_type3A = arith.extui %and3A_77 : i1 to i32
      %cond3A = arith.constant 0 : i32
      %cond3A_78 = arith.cmpi ne, %convert_element_type3A, %cond3A : i32
      scf.if %cond3A_78 {
        %add3A_363 = arith.constant 2 : i32
        %add3A_364 = arith.addi %scan3A_71, %add3A_363 : i32
        %dma_start3A_365 = arith.constant 0 : i32
        %dma_start3A_366 = arith.constant 64 : i32
        %dma_start3A_367 = arith.constant 0 : i32
        %dma_start3A_368 = tpu.memref_slice %arg7[%dma_start3A_366, %dma_start3A_367] : memref<128x256xf32, #tpu.memory_space<vmem>> -> memref<32x256xf32, #tpu.memory_space<vmem>>
        %dma_start3A_369 = arith.constant 0 : i32
        %dma_start3A_370 = tpu.memref_slice %arg6[%dma_start3A_365, %add3A_364, %dma_start3A_369] : memref<3x16x32xi32, #tpu.memory_space<vmem>> -> memref<1x1x32xi32, #tpu.memory_space<vmem>>
        %dma_start3A_371 = tpu.memref_squeeze %dma_start3A_370 : memref<1x1x32xi32, #tpu.memory_space<vmem>> -> memref<32xi32, #tpu.memory_space<vmem>>
        %dma_start3A_372 = arith.constant 0 : i32
        %dma_start3A_373 = arith.constant 0 : i32
        %dma_start3A_374 = tpu.memref_slice %arg3[%dma_start3A_372, %dma_start3A_373] : memref<100000x256xf32, #tpu.memory_space<hbm>> -> memref<100000x256xf32, #tpu.memory_space<hbm>>
        tpu.enqueue_indirect_dma source(%dma_start3A_374 : memref<100000x256xf32, #tpu.memory_space<hbm>>) target(%dma_start3A_368 : memref<32x256xf32, #tpu.memory_space<vmem>>) offsets(%dma_start3A_371 : memref<32xi32, #tpu.memory_space<vmem>>) semaphore(%arg14 : memref<!tpu.dma_semaphore, #tpu.memory_space<semaphore_mem>>)
        %dma_start3A_375 = arith.constant 1 : i32
        %dma_start3A_376 = arith.constant 64 : i32
        %dma_start3A_377 = arith.constant 0 : i32
        %dma_start3A_378 = tpu.memref_slice %arg8[%dma_start3A_376, %dma_start3A_377] : memref<128x256xf32, #tpu.memory_space<vmem>> -> memref<32x256xf32, #tpu.memory_space<vmem>>
        %dma_start3A_379 = arith.constant 0 : i32
        %dma_start3A_380 = tpu.memref_slice %arg6[%dma_start3A_375, %add3A_364, %dma_start3A_379] : memref<3x16x32xi32, #tpu.memory_space<vmem>> -> memref<1x1x32xi32, #tpu.memory_space<vmem>>
        %dma_start3A_381 = tpu.memref_squeeze %dma_start3A_380 : memref<1x1x32xi32, #tpu.memory_space<vmem>> -> memref<32xi32, #tpu.memory_space<vmem>>
        %dma_start3A_382 = arith.constant 0 : i32
        %dma_start3A_383 = arith.constant 0 : i32
        %dma_start3A_384 = tpu.memref_slice %arg4[%dma_start3A_382, %dma_start3A_383] : memref<100000x256xf32, #tpu.memory_space<hbm>> -> memref<100000x256xf32, #tpu.memory_space<hbm>>
        tpu.enqueue_indirect_dma source(%dma_start3A_384 : memref<100000x256xf32, #tpu.memory_space<hbm>>) target(%dma_start3A_378 : memref<32x256xf32, #tpu.memory_space<vmem>>) offsets(%dma_start3A_381 : memref<32xi32, #tpu.memory_space<vmem>>) semaphore(%arg14 : memref<!tpu.dma_semaphore, #tpu.memory_space<semaphore_mem>>)
        %dma_start3A_385 = arith.constant 2 : i32
        %dma_start3A_386 = arith.constant 64 : i32
        %dma_start3A_387 = arith.constant 0 : i32
        %dma_start3A_388 = tpu.memref_slice %arg9[%dma_start3A_386, %dma_start3A_387] : memref<128x256xf32, #tpu.memory_space<vmem>> -> memref<32x256xf32, #tpu.memory_space<vmem>>
        %dma_start3A_389 = arith.constant 0 : i32
        %dma_start3A_390 = tpu.memref_slice %arg6[%dma_start3A_385, %add3A_364, %dma_start3A_389] : memref<3x16x32xi32, #tpu.memory_space<vmem>> -> memref<1x1x32xi32, #tpu.memory_space<vmem>>
        %dma_start3A_391 = tpu.memref_squeeze %dma_start3A_390 : memref<1x1x32xi32, #tpu.memory_space<vmem>> -> memref<32xi32, #tpu.memory_space<vmem>>
        %dma_start3A_392 = arith.constant 0 : i32
        %dma_start3A_393 = arith.constant 0 : i32
        %dma_start3A_394 = tpu.memref_slice %arg3[%dma_start3A_392, %dma_start3A_393] : memref<100000x256xf32, #tpu.memory_space<hbm>> -> memref<100000x256xf32, #tpu.memory_space<hbm>>
        tpu.enqueue_indirect_dma source(%dma_start3A_394 : memref<100000x256xf32, #tpu.memory_space<hbm>>) target(%dma_start3A_388 : memref<32x256xf32, #tpu.memory_space<vmem>>) offsets(%dma_start3A_391 : memref<32xi32, #tpu.memory_space<vmem>>) semaphore(%arg14 : memref<!tpu.dma_semaphore, #tpu.memory_space<semaphore_mem>>)
      } else {
      }
      %eq3A_79 = arith.constant 1 : i32
      %eq3A_80 = arith.cmpi eq, %and3A_72, %eq3A_79 : i32
      %and3A_81 = arith.andi %lt3A_75, %eq3A_80 : i1
      %convert_element_type3A_82 = arith.extui %and3A_81 : i1 to i32
      %cond3A_83 = arith.constant 0 : i32
      %cond3A_84 = arith.cmpi ne, %convert_element_type3A_82, %cond3A_83 : i32
      scf.if %cond3A_84 {
        %add3A_363 = arith.constant 2 : i32
        %add3A_364 = arith.addi %scan3A_71, %add3A_363 : i32
        %dma_start3A_365 = arith.constant 0 : i32
        %dma_start3A_366 = arith.constant 96 : i32
        %dma_start3A_367 = arith.constant 0 : i32
        %dma_start3A_368 = tpu.memref_slice %arg7[%dma_start3A_366, %dma_start3A_367] : memref<128x256xf32, #tpu.memory_space<vmem>> -> memref<32x256xf32, #tpu.memory_space<vmem>>
        %dma_start3A_369 = arith.constant 0 : i32
        %dma_start3A_370 = tpu.memref_slice %arg6[%dma_start3A_365, %add3A_364, %dma_start3A_369] : memref<3x16x32xi32, #tpu.memory_space<vmem>> -> memref<1x1x32xi32, #tpu.memory_space<vmem>>
        %dma_start3A_371 = tpu.memref_squeeze %dma_start3A_370 : memref<1x1x32xi32, #tpu.memory_space<vmem>> -> memref<32xi32, #tpu.memory_space<vmem>>
        %dma_start3A_372 = arith.constant 0 : i32
        %dma_start3A_373 = arith.constant 0 : i32
        %dma_start3A_374 = tpu.memref_slice %arg3[%dma_start3A_372, %dma_start3A_373] : memref<100000x256xf32, #tpu.memory_space<hbm>> -> memref<100000x256xf32, #tpu.memory_space<hbm>>
        tpu.enqueue_indirect_dma source(%dma_start3A_374 : memref<100000x256xf32, #tpu.memory_space<hbm>>) target(%dma_start3A_368 : memref<32x256xf32, #tpu.memory_space<vmem>>) offsets(%dma_start3A_371 : memref<32xi32, #tpu.memory_space<vmem>>) semaphore(%arg15 : memref<!tpu.dma_semaphore, #tpu.memory_space<semaphore_mem>>)
        %dma_start3A_375 = arith.constant 1 : i32
        %dma_start3A_376 = arith.constant 96 : i32
        %dma_start3A_377 = arith.constant 0 : i32
        %dma_start3A_378 = tpu.memref_slice %arg8[%dma_start3A_376, %dma_start3A_377] : memref<128x256xf32, #tpu.memory_space<vmem>> -> memref<32x256xf32, #tpu.memory_space<vmem>>
        %dma_start3A_379 = arith.constant 0 : i32
        %dma_start3A_380 = tpu.memref_slice %arg6[%dma_start3A_375, %add3A_364, %dma_start3A_379] : memref<3x16x32xi32, #tpu.memory_space<vmem>> -> memref<1x1x32xi32, #tpu.memory_space<vmem>>
        %dma_start3A_381 = tpu.memref_squeeze %dma_start3A_380 : memref<1x1x32xi32, #tpu.memory_space<vmem>> -> memref<32xi32, #tpu.memory_space<vmem>>
        %dma_start3A_382 = arith.constant 0 : i32
        %dma_start3A_383 = arith.constant 0 : i32
        %dma_start3A_384 = tpu.memref_slice %arg4[%dma_start3A_382, %dma_start3A_383] : memref<100000x256xf32, #tpu.memory_space<hbm>> -> memref<100000x256xf32, #tpu.memory_space<hbm>>
        tpu.enqueue_indirect_dma source(%dma_start3A_384 : memref<100000x256xf32, #tpu.memory_space<hbm>>) target(%dma_start3A_378 : memref<32x256xf32, #tpu.memory_space<vmem>>) offsets(%dma_start3A_381 : memref<32xi32, #tpu.memory_space<vmem>>) semaphore(%arg15 : memref<!tpu.dma_semaphore, #tpu.memory_space<semaphore_mem>>)
        %dma_start3A_385 = arith.constant 2 : i32
        %dma_start3A_386 = arith.constant 96 : i32
        %dma_start3A_387 = arith.constant 0 : i32
        %dma_start3A_388 = tpu.memref_slice %arg9[%dma_start3A_386, %dma_start3A_387] : memref<128x256xf32, #tpu.memory_space<vmem>> -> memref<32x256xf32, #tpu.memory_space<vmem>>
        %dma_start3A_389 = arith.constant 0 : i32
        %dma_start3A_390 = tpu.memref_slice %arg6[%dma_start3A_385, %add3A_364, %dma_start3A_389] : memref<3x16x32xi32, #tpu.memory_space<vmem>> -> memref<1x1x32xi32, #tpu.memory_space<vmem>>
        %dma_start3A_391 = tpu.memref_squeeze %dma_start3A_390 : memref<1x1x32xi32, #tpu.memory_space<vmem>> -> memref<32xi32, #tpu.memory_space<vmem>>
        %dma_start3A_392 = arith.constant 0 : i32
        %dma_start3A_393 = arith.constant 0 : i32
        %dma_start3A_394 = tpu.memref_slice %arg3[%dma_start3A_392, %dma_start3A_393] : memref<100000x256xf32, #tpu.memory_space<hbm>> -> memref<100000x256xf32, #tpu.memory_space<hbm>>
        tpu.enqueue_indirect_dma source(%dma_start3A_394 : memref<100000x256xf32, #tpu.memory_space<hbm>>) target(%dma_start3A_388 : memref<32x256xf32, #tpu.memory_space<vmem>>) offsets(%dma_start3A_391 : memref<32xi32, #tpu.memory_space<vmem>>) semaphore(%arg15 : memref<!tpu.dma_semaphore, #tpu.memory_space<semaphore_mem>>)
      } else {
      }
      %eq3A_85 = arith.constant 2 : i32
      %eq3A_86 = arith.cmpi eq, %and3A_72, %eq3A_85 : i32
      %and3A_87 = arith.andi %lt3A_75, %eq3A_86 : i1
      %convert_element_type3A_88 = arith.extui %and3A_87 : i1 to i32
      %cond3A_89 = arith.constant 0 : i32
      %cond3A_90 = arith.cmpi ne, %convert_element_type3A_88, %cond3A_89 : i32
      scf.if %cond3A_90 {
        %add3A_363 = arith.constant 2 : i32
        %add3A_364 = arith.addi %scan3A_71, %add3A_363 : i32
        %dma_start3A_365 = arith.constant 0 : i32
        %dma_start3A_366 = arith.constant 0 : i32
        %dma_start3A_367 = arith.constant 0 : i32
        %dma_start3A_368 = tpu.memref_slice %arg7[%dma_start3A_366, %dma_start3A_367] : memref<128x256xf32, #tpu.memory_space<vmem>> -> memref<32x256xf32, #tpu.memory_space<vmem>>
        %dma_start3A_369 = arith.constant 0 : i32
        %dma_start3A_370 = tpu.memref_slice %arg6[%dma_start3A_365, %add3A_364, %dma_start3A_369] : memref<3x16x32xi32, #tpu.memory_space<vmem>> -> memref<1x1x32xi32, #tpu.memory_space<vmem>>
        %dma_start3A_371 = tpu.memref_squeeze %dma_start3A_370 : memref<1x1x32xi32, #tpu.memory_space<vmem>> -> memref<32xi32, #tpu.memory_space<vmem>>
        %dma_start3A_372 = arith.constant 0 : i32
        %dma_start3A_373 = arith.constant 0 : i32
        %dma_start3A_374 = tpu.memref_slice %arg3[%dma_start3A_372, %dma_start3A_373] : memref<100000x256xf32, #tpu.memory_space<hbm>> -> memref<100000x256xf32, #tpu.memory_space<hbm>>
        tpu.enqueue_indirect_dma source(%dma_start3A_374 : memref<100000x256xf32, #tpu.memory_space<hbm>>) target(%dma_start3A_368 : memref<32x256xf32, #tpu.memory_space<vmem>>) offsets(%dma_start3A_371 : memref<32xi32, #tpu.memory_space<vmem>>) semaphore(%arg12 : memref<!tpu.dma_semaphore, #tpu.memory_space<semaphore_mem>>)
        %dma_start3A_375 = arith.constant 1 : i32
        %dma_start3A_376 = arith.constant 0 : i32
        %dma_start3A_377 = arith.constant 0 : i32
        %dma_start3A_378 = tpu.memref_slice %arg8[%dma_start3A_376, %dma_start3A_377] : memref<128x256xf32, #tpu.memory_space<vmem>> -> memref<32x256xf32, #tpu.memory_space<vmem>>
        %dma_start3A_379 = arith.constant 0 : i32
        %dma_start3A_380 = tpu.memref_slice %arg6[%dma_start3A_375, %add3A_364, %dma_start3A_379] : memref<3x16x32xi32, #tpu.memory_space<vmem>> -> memref<1x1x32xi32, #tpu.memory_space<vmem>>
        %dma_start3A_381 = tpu.memref_squeeze %dma_start3A_380 : memref<1x1x32xi32, #tpu.memory_space<vmem>> -> memref<32xi32, #tpu.memory_space<vmem>>
        %dma_start3A_382 = arith.constant 0 : i32
        %dma_start3A_383 = arith.constant 0 : i32
        %dma_start3A_384 = tpu.memref_slice %arg4[%dma_start3A_382, %dma_start3A_383] : memref<100000x256xf32, #tpu.memory_space<hbm>> -> memref<100000x256xf32, #tpu.memory_space<hbm>>
        tpu.enqueue_indirect_dma source(%dma_start3A_384 : memref<100000x256xf32, #tpu.memory_space<hbm>>) target(%dma_start3A_378 : memref<32x256xf32, #tpu.memory_space<vmem>>) offsets(%dma_start3A_381 : memref<32xi32, #tpu.memory_space<vmem>>) semaphore(%arg12 : memref<!tpu.dma_semaphore, #tpu.memory_space<semaphore_mem>>)
        %dma_start3A_385 = arith.constant 2 : i32
        %dma_start3A_386 = arith.constant 0 : i32
        %dma_start3A_387 = arith.constant 0 : i32
        %dma_start3A_388 = tpu.memref_slice %arg9[%dma_start3A_386, %dma_start3A_387] : memref<128x256xf32, #tpu.memory_space<vmem>> -> memref<32x256xf32, #tpu.memory_space<vmem>>
        %dma_start3A_389 = arith.constant 0 : i32
        %dma_start3A_390 = tpu.memref_slice %arg6[%dma_start3A_385, %add3A_364, %dma_start3A_389] : memref<3x16x32xi32, #tpu.memory_space<vmem>> -> memref<1x1x32xi32, #tpu.memory_space<vmem>>
        %dma_start3A_391 = tpu.memref_squeeze %dma_start3A_390 : memref<1x1x32xi32, #tpu.memory_space<vmem>> -> memref<32xi32, #tpu.memory_space<vmem>>
        %dma_start3A_392 = arith.constant 0 : i32
        %dma_start3A_393 = arith.constant 0 : i32
        %dma_start3A_394 = tpu.memref_slice %arg3[%dma_start3A_392, %dma_start3A_393] : memref<100000x256xf32, #tpu.memory_space<hbm>> -> memref<100000x256xf32, #tpu.memory_space<hbm>>
        tpu.enqueue_indirect_dma source(%dma_start3A_394 : memref<100000x256xf32, #tpu.memory_space<hbm>>) target(%dma_start3A_388 : memref<32x256xf32, #tpu.memory_space<vmem>>) offsets(%dma_start3A_391 : memref<32xi32, #tpu.memory_space<vmem>>) semaphore(%arg12 : memref<!tpu.dma_semaphore, #tpu.memory_space<semaphore_mem>>)
      } else {
      }
      %eq3A_91 = arith.constant 3 : i32
      %eq3A_92 = arith.cmpi eq, %and3A_72, %eq3A_91 : i32
      %and3A_93 = arith.andi %lt3A_75, %eq3A_92 : i1
      %convert_element_type3A_94 = arith.extui %and3A_93 : i1 to i32
      %cond3A_95 = arith.constant 0 : i32
      %cond3A_96 = arith.cmpi ne, %convert_element_type3A_94, %cond3A_95 : i32
      scf.if %cond3A_96 {
        %add3A_363 = arith.constant 2 : i32
        %add3A_364 = arith.addi %scan3A_71, %add3A_363 : i32
        %dma_start3A_365 = arith.constant 0 : i32
        %dma_start3A_366 = arith.constant 32 : i32
        %dma_start3A_367 = arith.constant 0 : i32
        %dma_start3A_368 = tpu.memref_slice %arg7[%dma_start3A_366, %dma_start3A_367] : memref<128x256xf32, #tpu.memory_space<vmem>> -> memref<32x256xf32, #tpu.memory_space<vmem>>
        %dma_start3A_369 = arith.constant 0 : i32
        %dma_start3A_370 = tpu.memref_slice %arg6[%dma_start3A_365, %add3A_364, %dma_start3A_369] : memref<3x16x32xi32, #tpu.memory_space<vmem>> -> memref<1x1x32xi32, #tpu.memory_space<vmem>>
        %dma_start3A_371 = tpu.memref_squeeze %dma_start3A_370 : memref<1x1x32xi32, #tpu.memory_space<vmem>> -> memref<32xi32, #tpu.memory_space<vmem>>
        %dma_start3A_372 = arith.constant 0 : i32
        %dma_start3A_373 = arith.constant 0 : i32
        %dma_start3A_374 = tpu.memref_slice %arg3[%dma_start3A_372, %dma_start3A_373] : memref<100000x256xf32, #tpu.memory_space<hbm>> -> memref<100000x256xf32, #tpu.memory_space<hbm>>
        tpu.enqueue_indirect_dma source(%dma_start3A_374 : memref<100000x256xf32, #tpu.memory_space<hbm>>) target(%dma_start3A_368 : memref<32x256xf32, #tpu.memory_space<vmem>>) offsets(%dma_start3A_371 : memref<32xi32, #tpu.memory_space<vmem>>) semaphore(%arg13 : memref<!tpu.dma_semaphore, #tpu.memory_space<semaphore_mem>>)
        %dma_start3A_375 = arith.constant 1 : i32
        %dma_start3A_376 = arith.constant 32 : i32
        %dma_start3A_377 = arith.constant 0 : i32
        %dma_start3A_378 = tpu.memref_slice %arg8[%dma_start3A_376, %dma_start3A_377] : memref<128x256xf32, #tpu.memory_space<vmem>> -> memref<32x256xf32, #tpu.memory_space<vmem>>
        %dma_start3A_379 = arith.constant 0 : i32
        %dma_start3A_380 = tpu.memref_slice %arg6[%dma_start3A_375, %add3A_364, %dma_start3A_379] : memref<3x16x32xi32, #tpu.memory_space<vmem>> -> memref<1x1x32xi32, #tpu.memory_space<vmem>>
        %dma_start3A_381 = tpu.memref_squeeze %dma_start3A_380 : memref<1x1x32xi32, #tpu.memory_space<vmem>> -> memref<32xi32, #tpu.memory_space<vmem>>
        %dma_start3A_382 = arith.constant 0 : i32
        %dma_start3A_383 = arith.constant 0 : i32
        %dma_start3A_384 = tpu.memref_slice %arg4[%dma_start3A_382, %dma_start3A_383] : memref<100000x256xf32, #tpu.memory_space<hbm>> -> memref<100000x256xf32, #tpu.memory_space<hbm>>
        tpu.enqueue_indirect_dma source(%dma_start3A_384 : memref<100000x256xf32, #tpu.memory_space<hbm>>) target(%dma_start3A_378 : memref<32x256xf32, #tpu.memory_space<vmem>>) offsets(%dma_start3A_381 : memref<32xi32, #tpu.memory_space<vmem>>) semaphore(%arg13 : memref<!tpu.dma_semaphore, #tpu.memory_space<semaphore_mem>>)
        %dma_start3A_385 = arith.constant 2 : i32
        %dma_start3A_386 = arith.constant 32 : i32
        %dma_start3A_387 = arith.constant 0 : i32
        %dma_start3A_388 = tpu.memref_slice %arg9[%dma_start3A_386, %dma_start3A_387] : memref<128x256xf32, #tpu.memory_space<vmem>> -> memref<32x256xf32, #tpu.memory_space<vmem>>
        %dma_start3A_389 = arith.constant 0 : i32
        %dma_start3A_390 = tpu.memref_slice %arg6[%dma_start3A_385, %add3A_364, %dma_start3A_389] : memref<3x16x32xi32, #tpu.memory_space<vmem>> -> memref<1x1x32xi32, #tpu.memory_space<vmem>>
        %dma_start3A_391 = tpu.memref_squeeze %dma_start3A_390 : memref<1x1x32xi32, #tpu.memory_space<vmem>> -> memref<32xi32, #tpu.memory_space<vmem>>
        %dma_start3A_392 = arith.constant 0 : i32
        %dma_start3A_393 = arith.constant 0 : i32
        %dma_start3A_394 = tpu.memref_slice %arg3[%dma_start3A_392, %dma_start3A_393] : memref<100000x256xf32, #tpu.memory_space<hbm>> -> memref<100000x256xf32, #tpu.memory_space<hbm>>
        tpu.enqueue_indirect_dma source(%dma_start3A_394 : memref<100000x256xf32, #tpu.memory_space<hbm>>) target(%dma_start3A_388 : memref<32x256xf32, #tpu.memory_space<vmem>>) offsets(%dma_start3A_391 : memref<32xi32, #tpu.memory_space<vmem>>) semaphore(%arg13 : memref<!tpu.dma_semaphore, #tpu.memory_space<semaphore_mem>>)
      } else {
      }
      %eq3A_97 = arith.constant 0 : i32
      %eq3A_98 = arith.cmpi eq, %and3A_72, %eq3A_97 : i32
      %convert_element_type3A_99 = arith.extui %eq3A_98 : i1 to i32
      %cond3A_100 = arith.constant 0 : i32
      %cond3A_101 = arith.cmpi ne, %convert_element_type3A_99, %cond3A_100 : i32
      scf.if %cond3A_101 {
        %dma_wait3A = arith.constant 0 : i32
        %dma_wait3A_363 = arith.constant 0 : i32
        %dma_wait3A_364 = arith.constant 0 : i32
        %dma_wait3A_365 = tpu.memref_slice %arg7[%dma_wait3A_363, %dma_wait3A_364] : memref<128x256xf32, #tpu.memory_space<vmem>> -> memref<32x256xf32, #tpu.memory_space<vmem>>
        %dma_wait3A_366 = arith.constant 0 : i32
        %dma_wait3A_367 = tpu.memref_slice %arg6[%dma_wait3A, %scan3A_71, %dma_wait3A_366] : memref<3x16x32xi32, #tpu.memory_space<vmem>> -> memref<1x1x32xi32, #tpu.memory_space<vmem>>
        %dma_wait3A_368 = tpu.memref_squeeze %dma_wait3A_367 : memref<1x1x32xi32, #tpu.memory_space<vmem>> -> memref<32xi32, #tpu.memory_space<vmem>>
        %dma_wait3A_369 = arith.constant 0 : i32
        %dma_wait3A_370 = arith.constant 0 : i32
        %dma_wait3A_371 = tpu.memref_slice %arg3[%dma_wait3A_369, %dma_wait3A_370] : memref<100000x256xf32, #tpu.memory_space<hbm>> -> memref<100000x256xf32, #tpu.memory_space<hbm>>
        tpu.wait_indirect_dma semaphore(%arg12 : memref<!tpu.dma_semaphore, #tpu.memory_space<semaphore_mem>>) src(%dma_wait3A_371 : memref<100000x256xf32, #tpu.memory_space<hbm>>) dst(%dma_wait3A_365 : memref<32x256xf32, #tpu.memory_space<vmem>>)
        %dma_wait3A_372 = arith.constant 1 : i32
        %dma_wait3A_373 = arith.constant 0 : i32
        %dma_wait3A_374 = arith.constant 0 : i32
        %dma_wait3A_375 = tpu.memref_slice %arg8[%dma_wait3A_373, %dma_wait3A_374] : memref<128x256xf32, #tpu.memory_space<vmem>> -> memref<32x256xf32, #tpu.memory_space<vmem>>
        %dma_wait3A_376 = arith.constant 0 : i32
        %dma_wait3A_377 = tpu.memref_slice %arg6[%dma_wait3A_372, %scan3A_71, %dma_wait3A_376] : memref<3x16x32xi32, #tpu.memory_space<vmem>> -> memref<1x1x32xi32, #tpu.memory_space<vmem>>
        %dma_wait3A_378 = tpu.memref_squeeze %dma_wait3A_377 : memref<1x1x32xi32, #tpu.memory_space<vmem>> -> memref<32xi32, #tpu.memory_space<vmem>>
        %dma_wait3A_379 = arith.constant 0 : i32
        %dma_wait3A_380 = arith.constant 0 : i32
        %dma_wait3A_381 = tpu.memref_slice %arg4[%dma_wait3A_379, %dma_wait3A_380] : memref<100000x256xf32, #tpu.memory_space<hbm>> -> memref<100000x256xf32, #tpu.memory_space<hbm>>
        tpu.wait_indirect_dma semaphore(%arg12 : memref<!tpu.dma_semaphore, #tpu.memory_space<semaphore_mem>>) src(%dma_wait3A_381 : memref<100000x256xf32, #tpu.memory_space<hbm>>) dst(%dma_wait3A_375 : memref<32x256xf32, #tpu.memory_space<vmem>>)
        %dma_wait3A_382 = arith.constant 2 : i32
        %dma_wait3A_383 = arith.constant 0 : i32
        %dma_wait3A_384 = arith.constant 0 : i32
        %dma_wait3A_385 = tpu.memref_slice %arg9[%dma_wait3A_383, %dma_wait3A_384] : memref<128x256xf32, #tpu.memory_space<vmem>> -> memref<32x256xf32, #tpu.memory_space<vmem>>
        %dma_wait3A_386 = arith.constant 0 : i32
        %dma_wait3A_387 = tpu.memref_slice %arg6[%dma_wait3A_382, %scan3A_71, %dma_wait3A_386] : memref<3x16x32xi32, #tpu.memory_space<vmem>> -> memref<1x1x32xi32, #tpu.memory_space<vmem>>
        %dma_wait3A_388 = tpu.memref_squeeze %dma_wait3A_387 : memref<1x1x32xi32, #tpu.memory_space<vmem>> -> memref<32xi32, #tpu.memory_space<vmem>>
        %dma_wait3A_389 = arith.constant 0 : i32
        %dma_wait3A_390 = arith.constant 0 : i32
        %dma_wait3A_391 = tpu.memref_slice %arg3[%dma_wait3A_389, %dma_wait3A_390] : memref<100000x256xf32, #tpu.memory_space<hbm>> -> memref<100000x256xf32, #tpu.memory_space<hbm>>
        tpu.wait_indirect_dma semaphore(%arg12 : memref<!tpu.dma_semaphore, #tpu.memory_space<semaphore_mem>>) src(%dma_wait3A_391 : memref<100000x256xf32, #tpu.memory_space<hbm>>) dst(%dma_wait3A_385 : memref<32x256xf32, #tpu.memory_space<vmem>>)
      } else {
      }
      %eq3A_102 = arith.constant 1 : i32
      %eq3A_103 = arith.cmpi eq, %and3A_72, %eq3A_102 : i32
      %convert_element_type3A_104 = arith.extui %eq3A_103 : i1 to i32
      %cond3A_105 = arith.constant 0 : i32
      %cond3A_106 = arith.cmpi ne, %convert_element_type3A_104, %cond3A_105 : i32
      scf.if %cond3A_106 {
        %dma_wait3A = arith.constant 0 : i32
        %dma_wait3A_363 = arith.constant 32 : i32
        %dma_wait3A_364 = arith.constant 0 : i32
        %dma_wait3A_365 = tpu.memref_slice %arg7[%dma_wait3A_363, %dma_wait3A_364] : memref<128x256xf32, #tpu.memory_space<vmem>> -> memref<32x256xf32, #tpu.memory_space<vmem>>
        %dma_wait3A_366 = arith.constant 0 : i32
        %dma_wait3A_367 = tpu.memref_slice %arg6[%dma_wait3A, %scan3A_71, %dma_wait3A_366] : memref<3x16x32xi32, #tpu.memory_space<vmem>> -> memref<1x1x32xi32, #tpu.memory_space<vmem>>
        %dma_wait3A_368 = tpu.memref_squeeze %dma_wait3A_367 : memref<1x1x32xi32, #tpu.memory_space<vmem>> -> memref<32xi32, #tpu.memory_space<vmem>>
        %dma_wait3A_369 = arith.constant 0 : i32
        %dma_wait3A_370 = arith.constant 0 : i32
        %dma_wait3A_371 = tpu.memref_slice %arg3[%dma_wait3A_369, %dma_wait3A_370] : memref<100000x256xf32, #tpu.memory_space<hbm>> -> memref<100000x256xf32, #tpu.memory_space<hbm>>
        tpu.wait_indirect_dma semaphore(%arg13 : memref<!tpu.dma_semaphore, #tpu.memory_space<semaphore_mem>>) src(%dma_wait3A_371 : memref<100000x256xf32, #tpu.memory_space<hbm>>) dst(%dma_wait3A_365 : memref<32x256xf32, #tpu.memory_space<vmem>>)
        %dma_wait3A_372 = arith.constant 1 : i32
        %dma_wait3A_373 = arith.constant 32 : i32
        %dma_wait3A_374 = arith.constant 0 : i32
        %dma_wait3A_375 = tpu.memref_slice %arg8[%dma_wait3A_373, %dma_wait3A_374] : memref<128x256xf32, #tpu.memory_space<vmem>> -> memref<32x256xf32, #tpu.memory_space<vmem>>
        %dma_wait3A_376 = arith.constant 0 : i32
        %dma_wait3A_377 = tpu.memref_slice %arg6[%dma_wait3A_372, %scan3A_71, %dma_wait3A_376] : memref<3x16x32xi32, #tpu.memory_space<vmem>> -> memref<1x1x32xi32, #tpu.memory_space<vmem>>
        %dma_wait3A_378 = tpu.memref_squeeze %dma_wait3A_377 : memref<1x1x32xi32, #tpu.memory_space<vmem>> -> memref<32xi32, #tpu.memory_space<vmem>>
        %dma_wait3A_379 = arith.constant 0 : i32
        %dma_wait3A_380 = arith.constant 0 : i32
        %dma_wait3A_381 = tpu.memref_slice %arg4[%dma_wait3A_379, %dma_wait3A_380] : memref<100000x256xf32, #tpu.memory_space<hbm>> -> memref<100000x256xf32, #tpu.memory_space<hbm>>
        tpu.wait_indirect_dma semaphore(%arg13 : memref<!tpu.dma_semaphore, #tpu.memory_space<semaphore_mem>>) src(%dma_wait3A_381 : memref<100000x256xf32, #tpu.memory_space<hbm>>) dst(%dma_wait3A_375 : memref<32x256xf32, #tpu.memory_space<vmem>>)
        %dma_wait3A_382 = arith.constant 2 : i32
        %dma_wait3A_383 = arith.constant 32 : i32
        %dma_wait3A_384 = arith.constant 0 : i32
        %dma_wait3A_385 = tpu.memref_slice %arg9[%dma_wait3A_383, %dma_wait3A_384] : memref<128x256xf32, #tpu.memory_space<vmem>> -> memref<32x256xf32, #tpu.memory_space<vmem>>
        %dma_wait3A_386 = arith.constant 0 : i32
        %dma_wait3A_387 = tpu.memref_slice %arg6[%dma_wait3A_382, %scan3A_71, %dma_wait3A_386] : memref<3x16x32xi32, #tpu.memory_space<vmem>> -> memref<1x1x32xi32, #tpu.memory_space<vmem>>
        %dma_wait3A_388 = tpu.memref_squeeze %dma_wait3A_387 : memref<1x1x32xi32, #tpu.memory_space<vmem>> -> memref<32xi32, #tpu.memory_space<vmem>>
        %dma_wait3A_389 = arith.constant 0 : i32
        %dma_wait3A_390 = arith.constant 0 : i32
        %dma_wait3A_391 = tpu.memref_slice %arg3[%dma_wait3A_389, %dma_wait3A_390] : memref<100000x256xf32, #tpu.memory_space<hbm>> -> memref<100000x256xf32, #tpu.memory_space<hbm>>
        tpu.wait_indirect_dma semaphore(%arg13 : memref<!tpu.dma_semaphore, #tpu.memory_space<semaphore_mem>>) src(%dma_wait3A_391 : memref<100000x256xf32, #tpu.memory_space<hbm>>) dst(%dma_wait3A_385 : memref<32x256xf32, #tpu.memory_space<vmem>>)
      } else {
      }
      %eq3A_107 = arith.constant 2 : i32
      %eq3A_108 = arith.cmpi eq, %and3A_72, %eq3A_107 : i32
      %convert_element_type3A_109 = arith.extui %eq3A_108 : i1 to i32
      %cond3A_110 = arith.constant 0 : i32
      %cond3A_111 = arith.cmpi ne, %convert_element_type3A_109, %cond3A_110 : i32
      scf.if %cond3A_111 {
        %dma_wait3A = arith.constant 0 : i32
        %dma_wait3A_363 = arith.constant 64 : i32
        %dma_wait3A_364 = arith.constant 0 : i32
        %dma_wait3A_365 = tpu.memref_slice %arg7[%dma_wait3A_363, %dma_wait3A_364] : memref<128x256xf32, #tpu.memory_space<vmem>> -> memref<32x256xf32, #tpu.memory_space<vmem>>
        %dma_wait3A_366 = arith.constant 0 : i32
        %dma_wait3A_367 = tpu.memref_slice %arg6[%dma_wait3A, %scan3A_71, %dma_wait3A_366] : memref<3x16x32xi32, #tpu.memory_space<vmem>> -> memref<1x1x32xi32, #tpu.memory_space<vmem>>
        %dma_wait3A_368 = tpu.memref_squeeze %dma_wait3A_367 : memref<1x1x32xi32, #tpu.memory_space<vmem>> -> memref<32xi32, #tpu.memory_space<vmem>>
        %dma_wait3A_369 = arith.constant 0 : i32
        %dma_wait3A_370 = arith.constant 0 : i32
        %dma_wait3A_371 = tpu.memref_slice %arg3[%dma_wait3A_369, %dma_wait3A_370] : memref<100000x256xf32, #tpu.memory_space<hbm>> -> memref<100000x256xf32, #tpu.memory_space<hbm>>
        tpu.wait_indirect_dma semaphore(%arg14 : memref<!tpu.dma_semaphore, #tpu.memory_space<semaphore_mem>>) src(%dma_wait3A_371 : memref<100000x256xf32, #tpu.memory_space<hbm>>) dst(%dma_wait3A_365 : memref<32x256xf32, #tpu.memory_space<vmem>>)
        %dma_wait3A_372 = arith.constant 1 : i32
        %dma_wait3A_373 = arith.constant 64 : i32
        %dma_wait3A_374 = arith.constant 0 : i32
        %dma_wait3A_375 = tpu.memref_slice %arg8[%dma_wait3A_373, %dma_wait3A_374] : memref<128x256xf32, #tpu.memory_space<vmem>> -> memref<32x256xf32, #tpu.memory_space<vmem>>
        %dma_wait3A_376 = arith.constant 0 : i32
        %dma_wait3A_377 = tpu.memref_slice %arg6[%dma_wait3A_372, %scan3A_71, %dma_wait3A_376] : memref<3x16x32xi32, #tpu.memory_space<vmem>> -> memref<1x1x32xi32, #tpu.memory_space<vmem>>
        %dma_wait3A_378 = tpu.memref_squeeze %dma_wait3A_377 : memref<1x1x32xi32, #tpu.memory_space<vmem>> -> memref<32xi32, #tpu.memory_space<vmem>>
        %dma_wait3A_379 = arith.constant 0 : i32
        %dma_wait3A_380 = arith.constant 0 : i32
        %dma_wait3A_381 = tpu.memref_slice %arg4[%dma_wait3A_379, %dma_wait3A_380] : memref<100000x256xf32, #tpu.memory_space<hbm>> -> memref<100000x256xf32, #tpu.memory_space<hbm>>
        tpu.wait_indirect_dma semaphore(%arg14 : memref<!tpu.dma_semaphore, #tpu.memory_space<semaphore_mem>>) src(%dma_wait3A_381 : memref<100000x256xf32, #tpu.memory_space<hbm>>) dst(%dma_wait3A_375 : memref<32x256xf32, #tpu.memory_space<vmem>>)
        %dma_wait3A_382 = arith.constant 2 : i32
        %dma_wait3A_383 = arith.constant 64 : i32
        %dma_wait3A_384 = arith.constant 0 : i32
        %dma_wait3A_385 = tpu.memref_slice %arg9[%dma_wait3A_383, %dma_wait3A_384] : memref<128x256xf32, #tpu.memory_space<vmem>> -> memref<32x256xf32, #tpu.memory_space<vmem>>
        %dma_wait3A_386 = arith.constant 0 : i32
        %dma_wait3A_387 = tpu.memref_slice %arg6[%dma_wait3A_382, %scan3A_71, %dma_wait3A_386] : memref<3x16x32xi32, #tpu.memory_space<vmem>> -> memref<1x1x32xi32, #tpu.memory_space<vmem>>
        %dma_wait3A_388 = tpu.memref_squeeze %dma_wait3A_387 : memref<1x1x32xi32, #tpu.memory_space<vmem>> -> memref<32xi32, #tpu.memory_space<vmem>>
        %dma_wait3A_389 = arith.constant 0 : i32
        %dma_wait3A_390 = arith.constant 0 : i32
        %dma_wait3A_391 = tpu.memref_slice %arg3[%dma_wait3A_389, %dma_wait3A_390] : memref<100000x256xf32, #tpu.memory_space<hbm>> -> memref<100000x256xf32, #tpu.memory_space<hbm>>
        tpu.wait_indirect_dma semaphore(%arg14 : memref<!tpu.dma_semaphore, #tpu.memory_space<semaphore_mem>>) src(%dma_wait3A_391 : memref<100000x256xf32, #tpu.memory_space<hbm>>) dst(%dma_wait3A_385 : memref<32x256xf32, #tpu.memory_space<vmem>>)
      } else {
      }
      %eq3A_112 = arith.constant 3 : i32
      %eq3A_113 = arith.cmpi eq, %and3A_72, %eq3A_112 : i32
      %convert_element_type3A_114 = arith.extui %eq3A_113 : i1 to i32
      %cond3A_115 = arith.constant 0 : i32
      %cond3A_116 = arith.cmpi ne, %convert_element_type3A_114, %cond3A_115 : i32
      scf.if %cond3A_116 {
        %dma_wait3A = arith.constant 0 : i32
        %dma_wait3A_363 = arith.constant 96 : i32
        %dma_wait3A_364 = arith.constant 0 : i32
        %dma_wait3A_365 = tpu.memref_slice %arg7[%dma_wait3A_363, %dma_wait3A_364] : memref<128x256xf32, #tpu.memory_space<vmem>> -> memref<32x256xf32, #tpu.memory_space<vmem>>
        %dma_wait3A_366 = arith.constant 0 : i32
        %dma_wait3A_367 = tpu.memref_slice %arg6[%dma_wait3A, %scan3A_71, %dma_wait3A_366] : memref<3x16x32xi32, #tpu.memory_space<vmem>> -> memref<1x1x32xi32, #tpu.memory_space<vmem>>
        %dma_wait3A_368 = tpu.memref_squeeze %dma_wait3A_367 : memref<1x1x32xi32, #tpu.memory_space<vmem>> -> memref<32xi32, #tpu.memory_space<vmem>>
        %dma_wait3A_369 = arith.constant 0 : i32
        %dma_wait3A_370 = arith.constant 0 : i32
        %dma_wait3A_371 = tpu.memref_slice %arg3[%dma_wait3A_369, %dma_wait3A_370] : memref<100000x256xf32, #tpu.memory_space<hbm>> -> memref<100000x256xf32, #tpu.memory_space<hbm>>
        tpu.wait_indirect_dma semaphore(%arg15 : memref<!tpu.dma_semaphore, #tpu.memory_space<semaphore_mem>>) src(%dma_wait3A_371 : memref<100000x256xf32, #tpu.memory_space<hbm>>) dst(%dma_wait3A_365 : memref<32x256xf32, #tpu.memory_space<vmem>>)
        %dma_wait3A_372 = arith.constant 1 : i32
        %dma_wait3A_373 = arith.constant 96 : i32
        %dma_wait3A_374 = arith.constant 0 : i32
        %dma_wait3A_375 = tpu.memref_slice %arg8[%dma_wait3A_373, %dma_wait3A_374] : memref<128x256xf32, #tpu.memory_space<vmem>> -> memref<32x256xf32, #tpu.memory_space<vmem>>
        %dma_wait3A_376 = arith.constant 0 : i32
        %dma_wait3A_377 = tpu.memref_slice %arg6[%dma_wait3A_372, %scan3A_71, %dma_wait3A_376] : memref<3x16x32xi32, #tpu.memory_space<vmem>> -> memref<1x1x32xi32, #tpu.memory_space<vmem>>
        %dma_wait3A_378 = tpu.memref_squeeze %dma_wait3A_377 : memref<1x1x32xi32, #tpu.memory_space<vmem>> -> memref<32xi32, #tpu.memory_space<vmem>>
        %dma_wait3A_379 = arith.constant 0 : i32
        %dma_wait3A_380 = arith.constant 0 : i32
        %dma_wait3A_381 = tpu.memref_slice %arg4[%dma_wait3A_379, %dma_wait3A_380] : memref<100000x256xf32, #tpu.memory_space<hbm>> -> memref<100000x256xf32, #tpu.memory_space<hbm>>
        tpu.wait_indirect_dma semaphore(%arg15 : memref<!tpu.dma_semaphore, #tpu.memory_space<semaphore_mem>>) src(%dma_wait3A_381 : memref<100000x256xf32, #tpu.memory_space<hbm>>) dst(%dma_wait3A_375 : memref<32x256xf32, #tpu.memory_space<vmem>>)
        %dma_wait3A_382 = arith.constant 2 : i32
        %dma_wait3A_383 = arith.constant 96 : i32
        %dma_wait3A_384 = arith.constant 0 : i32
        %dma_wait3A_385 = tpu.memref_slice %arg9[%dma_wait3A_383, %dma_wait3A_384] : memref<128x256xf32, #tpu.memory_space<vmem>> -> memref<32x256xf32, #tpu.memory_space<vmem>>
        %dma_wait3A_386 = arith.constant 0 : i32
        %dma_wait3A_387 = tpu.memref_slice %arg6[%dma_wait3A_382, %scan3A_71, %dma_wait3A_386] : memref<3x16x32xi32, #tpu.memory_space<vmem>> -> memref<1x1x32xi32, #tpu.memory_space<vmem>>
        %dma_wait3A_388 = tpu.memref_squeeze %dma_wait3A_387 : memref<1x1x32xi32, #tpu.memory_space<vmem>> -> memref<32xi32, #tpu.memory_space<vmem>>
        %dma_wait3A_389 = arith.constant 0 : i32
        %dma_wait3A_390 = arith.constant 0 : i32
        %dma_wait3A_391 = tpu.memref_slice %arg3[%dma_wait3A_389, %dma_wait3A_390] : memref<100000x256xf32, #tpu.memory_space<hbm>> -> memref<100000x256xf32, #tpu.memory_space<hbm>>
        tpu.wait_indirect_dma semaphore(%arg15 : memref<!tpu.dma_semaphore, #tpu.memory_space<semaphore_mem>>) src(%dma_wait3A_391 : memref<100000x256xf32, #tpu.memory_space<hbm>>) dst(%dma_wait3A_385 : memref<32x256xf32, #tpu.memory_space<vmem>>)
      } else {
      }
      %mul3A_117 = arith.constant 32 : i32
      %mul3A_118 = arith.muli %and3A_72, %mul3A_117 : i32
      %multiple_of3A = tpu.assume_multiple %mul3A_118, 32 : i32
      %parallel_loop3A = arith.constant 0 : i32
      %parallel_loop3A_119 = arith.constant 32 : i32
      %parallel_loop3A_120 = arith.constant 1 : i32
      scf.for %parallel_loop3A_363 = %parallel_loop3A to %parallel_loop3A_119 step %parallel_loop3A_120  : i32 {
        %parallel_loop3A_364 = arith.addi %multiple_of3A, %parallel_loop3A_363 : i32
        %parallel_loop3A_365 = arith.constant 0.000000e+00 : f32
        %parallel_loop3A_366 = vector.broadcast %parallel_loop3A_365 : f32 to vector<16xf32>
        %parallel_loop3A_367 = arith.index_cast %parallel_loop3A_364 : i32 to index
        %parallel_loop3A_368 = arith.constant 0 : index
        %parallel_loop3A_369 = tpu.vector_load %arg7[%parallel_loop3A_367, %parallel_loop3A_368] {strides = array<i32>} : memref<128x256xf32, #tpu.memory_space<vmem>>, vector<1x16xf32>,
        %parallel_loop3A_370 = vector.shape_cast %parallel_loop3A_369 : vector<1x16xf32> to vector<16xf32>
        %parallel_loop3A_371 = arith.index_cast %parallel_loop3A_364 : i32 to index
        %parallel_loop3A_372 = arith.constant 128 : index
        %parallel_loop3A_373 = tpu.vector_load %arg7[%parallel_loop3A_371, %parallel_loop3A_372] {strides = array<i32>} : memref<128x256xf32, #tpu.memory_space<vmem>>, vector<1x16xf32>,
        %parallel_loop3A_374 = vector.shape_cast %parallel_loop3A_373 : vector<1x16xf32> to vector<16xf32>
        %parallel_loop3A_375 = arith.index_cast %parallel_loop3A_364 : i32 to index
        %parallel_loop3A_376 = arith.constant 0 : index
        %parallel_loop3A_377 = tpu.vector_load %arg8[%parallel_loop3A_375, %parallel_loop3A_376] {strides = array<i32>} : memref<128x256xf32, #tpu.memory_space<vmem>>, vector<1x16xf32>,
        %parallel_loop3A_378 = vector.shape_cast %parallel_loop3A_377 : vector<1x16xf32> to vector<16xf32>
        %parallel_loop3A_379 = arith.index_cast %parallel_loop3A_364 : i32 to index
        %parallel_loop3A_380 = arith.constant 128 : index
        %parallel_loop3A_381 = tpu.vector_load %arg8[%parallel_loop3A_379, %parallel_loop3A_380] {strides = array<i32>} : memref<128x256xf32, #tpu.memory_space<vmem>>, vector<1x16xf32>,
        %parallel_loop3A_382 = vector.shape_cast %parallel_loop3A_381 : vector<1x16xf32> to vector<16xf32>
        %parallel_loop3A_383 = arith.index_cast %parallel_loop3A_364 : i32 to index
        %parallel_loop3A_384 = arith.constant 0 : index
        %parallel_loop3A_385 = tpu.vector_load %arg9[%parallel_loop3A_383, %parallel_loop3A_384] {strides = array<i32>} : memref<128x256xf32, #tpu.memory_space<vmem>>, vector<1x16xf32>,
        %parallel_loop3A_386 = vector.shape_cast %parallel_loop3A_385 : vector<1x16xf32> to vector<16xf32>
        %parallel_loop3A_387 = arith.index_cast %parallel_loop3A_364 : i32 to index
        %parallel_loop3A_388 = arith.constant 128 : index
        %parallel_loop3A_389 = tpu.vector_load %arg9[%parallel_loop3A_387, %parallel_loop3A_388] {strides = array<i32>} : memref<128x256xf32, #tpu.memory_space<vmem>>, vector<1x16xf32>,
        %parallel_loop3A_390 = vector.shape_cast %parallel_loop3A_389 : vector<1x16xf32> to vector<16xf32>
        %parallel_loop3A_391 = arith.mulf %parallel_loop3A_378, %parallel_loop3A_386 : vector<16xf32>
        %parallel_loop3A_392 = arith.mulf %parallel_loop3A_382, %parallel_loop3A_390 : vector<16xf32>
        %parallel_loop3A_393 = arith.addf %parallel_loop3A_391, %parallel_loop3A_392 : vector<16xf32>
        %parallel_loop3A_394 = arith.mulf %parallel_loop3A_378, %parallel_loop3A_390 : vector<16xf32>
        %parallel_loop3A_395 = arith.mulf %parallel_loop3A_382, %parallel_loop3A_386 : vector<16xf32>
        %parallel_loop3A_396 = arith.subf %parallel_loop3A_394, %parallel_loop3A_395 : vector<16xf32>
        %parallel_loop3A_397 = arith.mulf %parallel_loop3A_370, %parallel_loop3A_393 : vector<16xf32>
        %parallel_loop3A_398 = arith.addf %parallel_loop3A_366, %parallel_loop3A_397 : vector<16xf32>
        %parallel_loop3A_399 = arith.mulf %parallel_loop3A_374, %parallel_loop3A_396 : vector<16xf32>
        %parallel_loop3A_400 = arith.addf %parallel_loop3A_398, %parallel_loop3A_399 : vector<16xf32>
        %parallel_loop3A_401 = arith.index_cast %parallel_loop3A_364 : i32 to index
        %parallel_loop3A_402 = arith.constant 16 : index
        %parallel_loop3A_403 = tpu.vector_load %arg7[%parallel_loop3A_401, %parallel_loop3A_402] {strides = array<i32>} : memref<128x256xf32, #tpu.memory_space<vmem>>, vector<1x16xf32>,
        %parallel_loop3A_404 = vector.shape_cast %parallel_loop3A_403 : vector<1x16xf32> to vector<16xf32>
        %parallel_loop3A_405 = arith.index_cast %parallel_loop3A_364 : i32 to index
        %parallel_loop3A_406 = arith.constant 144 : index
        %parallel_loop3A_407 = tpu.vector_load %arg7[%parallel_loop3A_405, %parallel_loop3A_406] {strides = array<i32>} : memref<128x256xf32, #tpu.memory_space<vmem>>, vector<1x16xf32>,
        %parallel_loop3A_408 = vector.shape_cast %parallel_loop3A_407 : vector<1x16xf32> to vector<16xf32>
        %parallel_loop3A_409 = arith.index_cast %parallel_loop3A_364 : i32 to index
        %parallel_loop3A_410 = arith.constant 16 : index
        %parallel_loop3A_411 = tpu.vector_load %arg8[%parallel_loop3A_409, %parallel_loop3A_410] {strides = array<i32>} : memref<128x256xf32, #tpu.memory_space<vmem>>, vector<1x16xf32>,
        %parallel_loop3A_412 = vector.shape_cast %parallel_loop3A_411 : vector<1x16xf32> to vector<16xf32>
        %parallel_loop3A_413 = arith.index_cast %parallel_loop3A_364 : i32 to index
        %parallel_loop3A_414 = arith.constant 144 : index
        %parallel_loop3A_415 = tpu.vector_load %arg8[%parallel_loop3A_413, %parallel_loop3A_414] {strides = array<i32>} : memref<128x256xf32, #tpu.memory_space<vmem>>, vector<1x16xf32>,
        %parallel_loop3A_416 = vector.shape_cast %parallel_loop3A_415 : vector<1x16xf32> to vector<16xf32>
        %parallel_loop3A_417 = arith.index_cast %parallel_loop3A_364 : i32 to index
        %parallel_loop3A_418 = arith.constant 16 : index
        %parallel_loop3A_419 = tpu.vector_load %arg9[%parallel_loop3A_417, %parallel_loop3A_418] {strides = array<i32>} : memref<128x256xf32, #tpu.memory_space<vmem>>, vector<1x16xf32>,
        %parallel_loop3A_420 = vector.shape_cast %parallel_loop3A_419 : vector<1x16xf32> to vector<16xf32>
        %parallel_loop3A_421 = arith.index_cast %parallel_loop3A_364 : i32 to index
        %parallel_loop3A_422 = arith.constant 144 : index
        %parallel_loop3A_423 = tpu.vector_load %arg9[%parallel_loop3A_421, %parallel_loop3A_422] {strides = array<i32>} : memref<128x256xf32, #tpu.memory_space<vmem>>, vector<1x16xf32>,
        %parallel_loop3A_424 = vector.shape_cast %parallel_loop3A_423 : vector<1x16xf32> to vector<16xf32>
        %parallel_loop3A_425 = arith.mulf %parallel_loop3A_412, %parallel_loop3A_420 : vector<16xf32>
        %parallel_loop3A_426 = arith.mulf %parallel_loop3A_416, %parallel_loop3A_424 : vector<16xf32>
        %parallel_loop3A_427 = arith.addf %parallel_loop3A_425, %parallel_loop3A_426 : vector<16xf32>
        %parallel_loop3A_428 = arith.mulf %parallel_loop3A_412, %parallel_loop3A_424 : vector<16xf32>
        %parallel_loop3A_429 = arith.mulf %parallel_loop3A_416, %parallel_loop3A_420 : vector<16xf32>
        %parallel_loop3A_430 = arith.subf %parallel_loop3A_428, %parallel_loop3A_429 : vector<16xf32>
        %parallel_loop3A_431 = arith.mulf %parallel_loop3A_404, %parallel_loop3A_427 : vector<16xf32>
        %parallel_loop3A_432 = arith.addf %parallel_loop3A_400, %parallel_loop3A_431 : vector<16xf32>
        %parallel_loop3A_433 = arith.mulf %parallel_loop3A_408, %parallel_loop3A_430 : vector<16xf32>
        %parallel_loop3A_434 = arith.addf %parallel_loop3A_432, %parallel_loop3A_433 : vector<16xf32>
        %parallel_loop3A_435 = arith.index_cast %parallel_loop3A_364 : i32 to index
        %parallel_loop3A_436 = arith.constant 32 : index
        %parallel_loop3A_437 = tpu.vector_load %arg7[%parallel_loop3A_435, %parallel_loop3A_436] {strides = array<i32>} : memref<128x256xf32, #tpu.memory_space<vmem>>, vector<1x16xf32>,
        %parallel_loop3A_438 = vector.shape_cast %parallel_loop3A_437 : vector<1x16xf32> to vector<16xf32>
        %parallel_loop3A_439 = arith.index_cast %parallel_loop3A_364 : i32 to index
        %parallel_loop3A_440 = arith.constant 160 : index
        %parallel_loop3A_441 = tpu.vector_load %arg7[%parallel_loop3A_439, %parallel_loop3A_440] {strides = array<i32>} : memref<128x256xf32, #tpu.memory_space<vmem>>, vector<1x16xf32>,
        %parallel_loop3A_442 = vector.shape_cast %parallel_loop3A_441 : vector<1x16xf32> to vector<16xf32>
        %parallel_loop3A_443 = arith.index_cast %parallel_loop3A_364 : i32 to index
        %parallel_loop3A_444 = arith.constant 32 : index
        %parallel_loop3A_445 = tpu.vector_load %arg8[%parallel_loop3A_443, %parallel_loop3A_444] {strides = array<i32>} : memref<128x256xf32, #tpu.memory_space<vmem>>, vector<1x16xf32>,
        %parallel_loop3A_446 = vector.shape_cast %parallel_loop3A_445 : vector<1x16xf32> to vector<16xf32>
        %parallel_loop3A_447 = arith.index_cast %parallel_loop3A_364 : i32 to index
        %parallel_loop3A_448 = arith.constant 160 : index
        %parallel_loop3A_449 = tpu.vector_load %arg8[%parallel_loop3A_447, %parallel_loop3A_448] {strides = array<i32>} : memref<128x256xf32, #tpu.memory_space<vmem>>, vector<1x16xf32>,
        %parallel_loop3A_450 = vector.shape_cast %parallel_loop3A_449 : vector<1x16xf32> to vector<16xf32>
        %parallel_loop3A_451 = arith.index_cast %parallel_loop3A_364 : i32 to index
        %parallel_loop3A_452 = arith.constant 32 : index
        %parallel_loop3A_453 = tpu.vector_load %arg9[%parallel_loop3A_451, %parallel_loop3A_452] {strides = array<i32>} : memref<128x256xf32, #tpu.memory_space<vmem>>, vector<1x16xf32>,
        %parallel_loop3A_454 = vector.shape_cast %parallel_loop3A_453 : vector<1x16xf32> to vector<16xf32>
        %parallel_loop3A_455 = arith.index_cast %parallel_loop3A_364 : i32 to index
        %parallel_loop3A_456 = arith.constant 160 : index
        %parallel_loop3A_457 = tpu.vector_load %arg9[%parallel_loop3A_455, %parallel_loop3A_456] {strides = array<i32>} : memref<128x256xf32, #tpu.memory_space<vmem>>, vector<1x16xf32>,
        %parallel_loop3A_458 = vector.shape_cast %parallel_loop3A_457 : vector<1x16xf32> to vector<16xf32>
        %parallel_loop3A_459 = arith.mulf %parallel_loop3A_446, %parallel_loop3A_454 : vector<16xf32>
        %parallel_loop3A_460 = arith.mulf %parallel_loop3A_450, %parallel_loop3A_458 : vector<16xf32>
        %parallel_loop3A_461 = arith.addf %parallel_loop3A_459, %parallel_loop3A_460 : vector<16xf32>
        %parallel_loop3A_462 = arith.mulf %parallel_loop3A_446, %parallel_loop3A_458 : vector<16xf32>
        %parallel_loop3A_463 = arith.mulf %parallel_loop3A_450, %parallel_loop3A_454 : vector<16xf32>
        %parallel_loop3A_464 = arith.subf %parallel_loop3A_462, %parallel_loop3A_463 : vector<16xf32>
        %parallel_loop3A_465 = arith.mulf %parallel_loop3A_438, %parallel_loop3A_461 : vector<16xf32>
        %parallel_loop3A_466 = arith.addf %parallel_loop3A_434, %parallel_loop3A_465 : vector<16xf32>
        %parallel_loop3A_467 = arith.mulf %parallel_loop3A_442, %parallel_loop3A_464 : vector<16xf32>
        %parallel_loop3A_468 = arith.addf %parallel_loop3A_466, %parallel_loop3A_467 : vector<16xf32>
        %parallel_loop3A_469 = arith.index_cast %parallel_loop3A_364 : i32 to index
        %parallel_loop3A_470 = arith.constant 48 : index
        %parallel_loop3A_471 = tpu.vector_load %arg7[%parallel_loop3A_469, %parallel_loop3A_470] {strides = array<i32>} : memref<128x256xf32, #tpu.memory_space<vmem>>, vector<1x16xf32>,
        %parallel_loop3A_472 = vector.shape_cast %parallel_loop3A_471 : vector<1x16xf32> to vector<16xf32>
        %parallel_loop3A_473 = arith.index_cast %parallel_loop3A_364 : i32 to index
        %parallel_loop3A_474 = arith.constant 176 : index
        %parallel_loop3A_475 = tpu.vector_load %arg7[%parallel_loop3A_473, %parallel_loop3A_474] {strides = array<i32>} : memref<128x256xf32, #tpu.memory_space<vmem>>, vector<1x16xf32>,
        %parallel_loop3A_476 = vector.shape_cast %parallel_loop3A_475 : vector<1x16xf32> to vector<16xf32>
        %parallel_loop3A_477 = arith.index_cast %parallel_loop3A_364 : i32 to index
        %parallel_loop3A_478 = arith.constant 48 : index
        %parallel_loop3A_479 = tpu.vector_load %arg8[%parallel_loop3A_477, %parallel_loop3A_478] {strides = array<i32>} : memref<128x256xf32, #tpu.memory_space<vmem>>, vector<1x16xf32>,
        %parallel_loop3A_480 = vector.shape_cast %parallel_loop3A_479 : vector<1x16xf32> to vector<16xf32>
        %parallel_loop3A_481 = arith.index_cast %parallel_loop3A_364 : i32 to index
        %parallel_loop3A_482 = arith.constant 176 : index
        %parallel_loop3A_483 = tpu.vector_load %arg8[%parallel_loop3A_481, %parallel_loop3A_482] {strides = array<i32>} : memref<128x256xf32, #tpu.memory_space<vmem>>, vector<1x16xf32>,
        %parallel_loop3A_484 = vector.shape_cast %parallel_loop3A_483 : vector<1x16xf32> to vector<16xf32>
        %parallel_loop3A_485 = arith.index_cast %parallel_loop3A_364 : i32 to index
        %parallel_loop3A_486 = arith.constant 48 : index
        %parallel_loop3A_487 = tpu.vector_load %arg9[%parallel_loop3A_485, %parallel_loop3A_486] {strides = array<i32>} : memref<128x256xf32, #tpu.memory_space<vmem>>, vector<1x16xf32>,
        %parallel_loop3A_488 = vector.shape_cast %parallel_loop3A_487 : vector<1x16xf32> to vector<16xf32>
        %parallel_loop3A_489 = arith.index_cast %parallel_loop3A_364 : i32 to index
        %parallel_loop3A_490 = arith.constant 176 : index
        %parallel_loop3A_491 = tpu.vector_load %arg9[%parallel_loop3A_489, %parallel_loop3A_490] {strides = array<i32>} : memref<128x256xf32, #tpu.memory_space<vmem>>, vector<1x16xf32>,
        %parallel_loop3A_492 = vector.shape_cast %parallel_loop3A_491 : vector<1x16xf32> to vector<16xf32>
        %parallel_loop3A_493 = arith.mulf %parallel_loop3A_480, %parallel_loop3A_488 : vector<16xf32>
        %parallel_loop3A_494 = arith.mulf %parallel_loop3A_484, %parallel_loop3A_492 : vector<16xf32>
        %parallel_loop3A_495 = arith.addf %parallel_loop3A_493, %parallel_loop3A_494 : vector<16xf32>
        %parallel_loop3A_496 = arith.mulf %parallel_loop3A_480, %parallel_loop3A_492 : vector<16xf32>
        %parallel_loop3A_497 = arith.mulf %parallel_loop3A_484, %parallel_loop3A_488 : vector<16xf32>
        %parallel_loop3A_498 = arith.subf %parallel_loop3A_496, %parallel_loop3A_497 : vector<16xf32>
        %parallel_loop3A_499 = arith.mulf %parallel_loop3A_472, %parallel_loop3A_495 : vector<16xf32>
        %parallel_loop3A_500 = arith.addf %parallel_loop3A_468, %parallel_loop3A_499 : vector<16xf32>
        %parallel_loop3A_501 = arith.mulf %parallel_loop3A_476, %parallel_loop3A_498 : vector<16xf32>
        %parallel_loop3A_502 = arith.addf %parallel_loop3A_500, %parallel_loop3A_501 : vector<16xf32>
        %parallel_loop3A_503 = arith.index_cast %parallel_loop3A_364 : i32 to index
        %parallel_loop3A_504 = arith.constant 64 : index
        %parallel_loop3A_505 = tpu.vector_load %arg7[%parallel_loop3A_503, %parallel_loop3A_504] {strides = array<i32>} : memref<128x256xf32, #tpu.memory_space<vmem>>, vector<1x16xf32>,
        %parallel_loop3A_506 = vector.shape_cast %parallel_loop3A_505 : vector<1x16xf32> to vector<16xf32>
        %parallel_loop3A_507 = arith.index_cast %parallel_loop3A_364 : i32 to index
        %parallel_loop3A_508 = arith.constant 192 : index
        %parallel_loop3A_509 = tpu.vector_load %arg7[%parallel_loop3A_507, %parallel_loop3A_508] {strides = array<i32>} : memref<128x256xf32, #tpu.memory_space<vmem>>, vector<1x16xf32>,
        %parallel_loop3A_510 = vector.shape_cast %parallel_loop3A_509 : vector<1x16xf32> to vector<16xf32>
        %parallel_loop3A_511 = arith.index_cast %parallel_loop3A_364 : i32 to index
        %parallel_loop3A_512 = arith.constant 64 : index
        %parallel_loop3A_513 = tpu.vector_load %arg8[%parallel_loop3A_511, %parallel_loop3A_512] {strides = array<i32>} : memref<128x256xf32, #tpu.memory_space<vmem>>, vector<1x16xf32>,
        %parallel_loop3A_514 = vector.shape_cast %parallel_loop3A_513 : vector<1x16xf32> to vector<16xf32>
        %parallel_loop3A_515 = arith.index_cast %parallel_loop3A_364 : i32 to index
        %parallel_loop3A_516 = arith.constant 192 : index
        %parallel_loop3A_517 = tpu.vector_load %arg8[%parallel_loop3A_515, %parallel_loop3A_516] {strides = array<i32>} : memref<128x256xf32, #tpu.memory_space<vmem>>, vector<1x16xf32>,
        %parallel_loop3A_518 = vector.shape_cast %parallel_loop3A_517 : vector<1x16xf32> to vector<16xf32>
        %parallel_loop3A_519 = arith.index_cast %parallel_loop3A_364 : i32 to index
        %parallel_loop3A_520 = arith.constant 64 : index
        %parallel_loop3A_521 = tpu.vector_load %arg9[%parallel_loop3A_519, %parallel_loop3A_520] {strides = array<i32>} : memref<128x256xf32, #tpu.memory_space<vmem>>, vector<1x16xf32>,
        %parallel_loop3A_522 = vector.shape_cast %parallel_loop3A_521 : vector<1x16xf32> to vector<16xf32>
        %parallel_loop3A_523 = arith.index_cast %parallel_loop3A_364 : i32 to index
        %parallel_loop3A_524 = arith.constant 192 : index
        %parallel_loop3A_525 = tpu.vector_load %arg9[%parallel_loop3A_523, %parallel_loop3A_524] {strides = array<i32>} : memref<128x256xf32, #tpu.memory_space<vmem>>, vector<1x16xf32>,
        %parallel_loop3A_526 = vector.shape_cast %parallel_loop3A_525 : vector<1x16xf32> to vector<16xf32>
        %parallel_loop3A_527 = arith.mulf %parallel_loop3A_514, %parallel_loop3A_522 : vector<16xf32>
        %parallel_loop3A_528 = arith.mulf %parallel_loop3A_518, %parallel_loop3A_526 : vector<16xf32>
        %parallel_loop3A_529 = arith.addf %parallel_loop3A_527, %parallel_loop3A_528 : vector<16xf32>
        %parallel_loop3A_530 = arith.mulf %parallel_loop3A_514, %parallel_loop3A_526 : vector<16xf32>
        %parallel_loop3A_531 = arith.mulf %parallel_loop3A_518, %parallel_loop3A_522 : vector<16xf32>
        %parallel_loop3A_532 = arith.subf %parallel_loop3A_530, %parallel_loop3A_531 : vector<16xf32>
        %parallel_loop3A_533 = arith.mulf %parallel_loop3A_506, %parallel_loop3A_529 : vector<16xf32>
        %parallel_loop3A_534 = arith.addf %parallel_loop3A_502, %parallel_loop3A_533 : vector<16xf32>
        %parallel_loop3A_535 = arith.mulf %parallel_loop3A_510, %parallel_loop3A_532 : vector<16xf32>
        %parallel_loop3A_536 = arith.addf %parallel_loop3A_534, %parallel_loop3A_535 : vector<16xf32>
        %parallel_loop3A_537 = arith.index_cast %parallel_loop3A_364 : i32 to index
        %parallel_loop3A_538 = arith.constant 80 : index
        %parallel_loop3A_539 = tpu.vector_load %arg7[%parallel_loop3A_537, %parallel_loop3A_538] {strides = array<i32>} : memref<128x256xf32, #tpu.memory_space<vmem>>, vector<1x16xf32>,
        %parallel_loop3A_540 = vector.shape_cast %parallel_loop3A_539 : vector<1x16xf32> to vector<16xf32>
        %parallel_loop3A_541 = arith.index_cast %parallel_loop3A_364 : i32 to index
        %parallel_loop3A_542 = arith.constant 208 : index
        %parallel_loop3A_543 = tpu.vector_load %arg7[%parallel_loop3A_541, %parallel_loop3A_542] {strides = array<i32>} : memref<128x256xf32, #tpu.memory_space<vmem>>, vector<1x16xf32>,
        %parallel_loop3A_544 = vector.shape_cast %parallel_loop3A_543 : vector<1x16xf32> to vector<16xf32>
        %parallel_loop3A_545 = arith.index_cast %parallel_loop3A_364 : i32 to index
        %parallel_loop3A_546 = arith.constant 80 : index
        %parallel_loop3A_547 = tpu.vector_load %arg8[%parallel_loop3A_545, %parallel_loop3A_546] {strides = array<i32>} : memref<128x256xf32, #tpu.memory_space<vmem>>, vector<1x16xf32>,
        %parallel_loop3A_548 = vector.shape_cast %parallel_loop3A_547 : vector<1x16xf32> to vector<16xf32>
        %parallel_loop3A_549 = arith.index_cast %parallel_loop3A_364 : i32 to index
        %parallel_loop3A_550 = arith.constant 208 : index
        %parallel_loop3A_551 = tpu.vector_load %arg8[%parallel_loop3A_549, %parallel_loop3A_550] {strides = array<i32>} : memref<128x256xf32, #tpu.memory_space<vmem>>, vector<1x16xf32>,
        %parallel_loop3A_552 = vector.shape_cast %parallel_loop3A_551 : vector<1x16xf32> to vector<16xf32>
        %parallel_loop3A_553 = arith.index_cast %parallel_loop3A_364 : i32 to index
        %parallel_loop3A_554 = arith.constant 80 : index
        %parallel_loop3A_555 = tpu.vector_load %arg9[%parallel_loop3A_553, %parallel_loop3A_554] {strides = array<i32>} : memref<128x256xf32, #tpu.memory_space<vmem>>, vector<1x16xf32>,
        %parallel_loop3A_556 = vector.shape_cast %parallel_loop3A_555 : vector<1x16xf32> to vector<16xf32>
        %parallel_loop3A_557 = arith.index_cast %parallel_loop3A_364 : i32 to index
        %parallel_loop3A_558 = arith.constant 208 : index
        %parallel_loop3A_559 = tpu.vector_load %arg9[%parallel_loop3A_557, %parallel_loop3A_558] {strides = array<i32>} : memref<128x256xf32, #tpu.memory_space<vmem>>, vector<1x16xf32>,
        %parallel_loop3A_560 = vector.shape_cast %parallel_loop3A_559 : vector<1x16xf32> to vector<16xf32>
        %parallel_loop3A_561 = arith.mulf %parallel_loop3A_548, %parallel_loop3A_556 : vector<16xf32>
        %parallel_loop3A_562 = arith.mulf %parallel_loop3A_552, %parallel_loop3A_560 : vector<16xf32>
        %parallel_loop3A_563 = arith.addf %parallel_loop3A_561, %parallel_loop3A_562 : vector<16xf32>
        %parallel_loop3A_564 = arith.mulf %parallel_loop3A_548, %parallel_loop3A_560 : vector<16xf32>
        %parallel_loop3A_565 = arith.mulf %parallel_loop3A_552, %parallel_loop3A_556 : vector<16xf32>
        %parallel_loop3A_566 = arith.subf %parallel_loop3A_564, %parallel_loop3A_565 : vector<16xf32>
        %parallel_loop3A_567 = arith.mulf %parallel_loop3A_540, %parallel_loop3A_563 : vector<16xf32>
        %parallel_loop3A_568 = arith.addf %parallel_loop3A_536, %parallel_loop3A_567 : vector<16xf32>
        %parallel_loop3A_569 = arith.mulf %parallel_loop3A_544, %parallel_loop3A_566 : vector<16xf32>
        %parallel_loop3A_570 = arith.addf %parallel_loop3A_568, %parallel_loop3A_569 : vector<16xf32>
        %parallel_loop3A_571 = arith.index_cast %parallel_loop3A_364 : i32 to index
        %parallel_loop3A_572 = arith.constant 96 : index
        %parallel_loop3A_573 = tpu.vector_load %arg7[%parallel_loop3A_571, %parallel_loop3A_572] {strides = array<i32>} : memref<128x256xf32, #tpu.memory_space<vmem>>, vector<1x16xf32>,
        %parallel_loop3A_574 = vector.shape_cast %parallel_loop3A_573 : vector<1x16xf32> to vector<16xf32>
        %parallel_loop3A_575 = arith.index_cast %parallel_loop3A_364 : i32 to index
        %parallel_loop3A_576 = arith.constant 224 : index
        %parallel_loop3A_577 = tpu.vector_load %arg7[%parallel_loop3A_575, %parallel_loop3A_576] {strides = array<i32>} : memref<128x256xf32, #tpu.memory_space<vmem>>, vector<1x16xf32>,
        %parallel_loop3A_578 = vector.shape_cast %parallel_loop3A_577 : vector<1x16xf32> to vector<16xf32>
        %parallel_loop3A_579 = arith.index_cast %parallel_loop3A_364 : i32 to index
        %parallel_loop3A_580 = arith.constant 96 : index
        %parallel_loop3A_581 = tpu.vector_load %arg8[%parallel_loop3A_579, %parallel_loop3A_580] {strides = array<i32>} : memref<128x256xf32, #tpu.memory_space<vmem>>, vector<1x16xf32>,
        %parallel_loop3A_582 = vector.shape_cast %parallel_loop3A_581 : vector<1x16xf32> to vector<16xf32>
        %parallel_loop3A_583 = arith.index_cast %parallel_loop3A_364 : i32 to index
        %parallel_loop3A_584 = arith.constant 224 : index
        %parallel_loop3A_585 = tpu.vector_load %arg8[%parallel_loop3A_583, %parallel_loop3A_584] {strides = array<i32>} : memref<128x256xf32, #tpu.memory_space<vmem>>, vector<1x16xf32>,
        %parallel_loop3A_586 = vector.shape_cast %parallel_loop3A_585 : vector<1x16xf32> to vector<16xf32>
        %parallel_loop3A_587 = arith.index_cast %parallel_loop3A_364 : i32 to index
        %parallel_loop3A_588 = arith.constant 96 : index
        %parallel_loop3A_589 = tpu.vector_load %arg9[%parallel_loop3A_587, %parallel_loop3A_588] {strides = array<i32>} : memref<128x256xf32, #tpu.memory_space<vmem>>, vector<1x16xf32>,
        %parallel_loop3A_590 = vector.shape_cast %parallel_loop3A_589 : vector<1x16xf32> to vector<16xf32>
        %parallel_loop3A_591 = arith.index_cast %parallel_loop3A_364 : i32 to index
        %parallel_loop3A_592 = arith.constant 224 : index
        %parallel_loop3A_593 = tpu.vector_load %arg9[%parallel_loop3A_591, %parallel_loop3A_592] {strides = array<i32>} : memref<128x256xf32, #tpu.memory_space<vmem>>, vector<1x16xf32>,
        %parallel_loop3A_594 = vector.shape_cast %parallel_loop3A_593 : vector<1x16xf32> to vector<16xf32>
        %parallel_loop3A_595 = arith.mulf %parallel_loop3A_582, %parallel_loop3A_590 : vector<16xf32>
        %parallel_loop3A_596 = arith.mulf %parallel_loop3A_586, %parallel_loop3A_594 : vector<16xf32>
        %parallel_loop3A_597 = arith.addf %parallel_loop3A_595, %parallel_loop3A_596 : vector<16xf32>
        %parallel_loop3A_598 = arith.mulf %parallel_loop3A_582, %parallel_loop3A_594 : vector<16xf32>
        %parallel_loop3A_599 = arith.mulf %parallel_loop3A_586, %parallel_loop3A_590 : vector<16xf32>
        %parallel_loop3A_600 = arith.subf %parallel_loop3A_598, %parallel_loop3A_599 : vector<16xf32>
        %parallel_loop3A_601 = arith.mulf %parallel_loop3A_574, %parallel_loop3A_597 : vector<16xf32>
        %parallel_loop3A_602 = arith.addf %parallel_loop3A_570, %parallel_loop3A_601 : vector<16xf32>
        %parallel_loop3A_603 = arith.mulf %parallel_loop3A_578, %parallel_loop3A_600 : vector<16xf32>
        %parallel_loop3A_604 = arith.addf %parallel_loop3A_602, %parallel_loop3A_603 : vector<16xf32>
        %parallel_loop3A_605 = arith.index_cast %parallel_loop3A_364 : i32 to index
        %parallel_loop3A_606 = arith.constant 112 : index
        %parallel_loop3A_607 = tpu.vector_load %arg7[%parallel_loop3A_605, %parallel_loop3A_606] {strides = array<i32>} : memref<128x256xf32, #tpu.memory_space<vmem>>, vector<1x16xf32>,
        %parallel_loop3A_608 = vector.shape_cast %parallel_loop3A_607 : vector<1x16xf32> to vector<16xf32>
        %parallel_loop3A_609 = arith.index_cast %parallel_loop3A_364 : i32 to index
        %parallel_loop3A_610 = arith.constant 240 : index
        %parallel_loop3A_611 = tpu.vector_load %arg7[%parallel_loop3A_609, %parallel_loop3A_610] {strides = array<i32>} : memref<128x256xf32, #tpu.memory_space<vmem>>, vector<1x16xf32>,
        %parallel_loop3A_612 = vector.shape_cast %parallel_loop3A_611 : vector<1x16xf32> to vector<16xf32>
        %parallel_loop3A_613 = arith.index_cast %parallel_loop3A_364 : i32 to index
        %parallel_loop3A_614 = arith.constant 112 : index
        %parallel_loop3A_615 = tpu.vector_load %arg8[%parallel_loop3A_613, %parallel_loop3A_614] {strides = array<i32>} : memref<128x256xf32, #tpu.memory_space<vmem>>, vector<1x16xf32>,
        %parallel_loop3A_616 = vector.shape_cast %parallel_loop3A_615 : vector<1x16xf32> to vector<16xf32>
        %parallel_loop3A_617 = arith.index_cast %parallel_loop3A_364 : i32 to index
        %parallel_loop3A_618 = arith.constant 240 : index
        %parallel_loop3A_619 = tpu.vector_load %arg8[%parallel_loop3A_617, %parallel_loop3A_618] {strides = array<i32>} : memref<128x256xf32, #tpu.memory_space<vmem>>, vector<1x16xf32>,
        %parallel_loop3A_620 = vector.shape_cast %parallel_loop3A_619 : vector<1x16xf32> to vector<16xf32>
        %parallel_loop3A_621 = arith.index_cast %parallel_loop3A_364 : i32 to index
        %parallel_loop3A_622 = arith.constant 112 : index
        %parallel_loop3A_623 = tpu.vector_load %arg9[%parallel_loop3A_621, %parallel_loop3A_622] {strides = array<i32>} : memref<128x256xf32, #tpu.memory_space<vmem>>, vector<1x16xf32>,
        %parallel_loop3A_624 = vector.shape_cast %parallel_loop3A_623 : vector<1x16xf32> to vector<16xf32>
        %parallel_loop3A_625 = arith.index_cast %parallel_loop3A_364 : i32 to index
        %parallel_loop3A_626 = arith.constant 240 : index
        %parallel_loop3A_627 = tpu.vector_load %arg9[%parallel_loop3A_625, %parallel_loop3A_626] {strides = array<i32>} : memref<128x256xf32, #tpu.memory_space<vmem>>, vector<1x16xf32>,
        %parallel_loop3A_628 = vector.shape_cast %parallel_loop3A_627 : vector<1x16xf32> to vector<16xf32>
        %parallel_loop3A_629 = arith.mulf %parallel_loop3A_616, %parallel_loop3A_624 : vector<16xf32>
        %parallel_loop3A_630 = arith.mulf %parallel_loop3A_620, %parallel_loop3A_628 : vector<16xf32>
        %parallel_loop3A_631 = arith.addf %parallel_loop3A_629, %parallel_loop3A_630 : vector<16xf32>
        %parallel_loop3A_632 = arith.mulf %parallel_loop3A_616, %parallel_loop3A_628 : vector<16xf32>
        %parallel_loop3A_633 = arith.mulf %parallel_loop3A_620, %parallel_loop3A_624 : vector<16xf32>
        %parallel_loop3A_634 = arith.subf %parallel_loop3A_632, %parallel_loop3A_633 : vector<16xf32>
        %parallel_loop3A_635 = arith.mulf %parallel_loop3A_608, %parallel_loop3A_631 : vector<16xf32>
        %parallel_loop3A_636 = arith.addf %parallel_loop3A_604, %parallel_loop3A_635 : vector<16xf32>
        %parallel_loop3A_637 = arith.mulf %parallel_loop3A_612, %parallel_loop3A_634 : vector<16xf32>
        %parallel_loop3A_638 = arith.addf %parallel_loop3A_636, %parallel_loop3A_637 : vector<16xf32>
        %parallel_loop3A_639 = arith.constant 8 : i32
        %parallel_loop3A_640 = vector.broadcast %parallel_loop3A_639 : i32 to vector<16xi32>
        %parallel_loop3A_641 = arith.xori %iota3A, %parallel_loop3A_640 : vector<16xi32>
        %parallel_loop3A_642 = arith.constant 0 : i32
        %parallel_loop3A_643 = vector.broadcast %parallel_loop3A_642 : i32 to vector<16xi32>
        %parallel_loop3A_644 = arith.cmpi slt, %parallel_loop3A_641, %parallel_loop3A_643 : vector<16xi32>
        %parallel_loop3A_645 = arith.constant 16 : i32
        %parallel_loop3A_646 = vector.broadcast %parallel_loop3A_645 : i32 to vector<16xi32>
        %parallel_loop3A_647 = arith.addi %parallel_loop3A_641, %parallel_loop3A_646 : vector<16xi32>
        %parallel_loop3A_648 = arith.select %parallel_loop3A_644, %parallel_loop3A_647, %parallel_loop3A_641 : vector<16xi1>, vector<16xi32>
        %parallel_loop3A_649 = vector.shape_cast %parallel_loop3A_648 : vector<16xi32> to vector<16x1xi32>
        %parallel_loop3A_650 = vector.shape_cast %parallel_loop3A_649 : vector<16x1xi32> to vector<16xi32>
        %parallel_loop3A_651 = tpu.dynamic_gather %parallel_loop3A_638[%parallel_loop3A_650] in [0] : vector<16xf32>, vector<16xi32> -> vector<16xf32>
        %parallel_loop3A_652 = arith.addf %parallel_loop3A_638, %parallel_loop3A_651 : vector<16xf32>
        %parallel_loop3A_653 = arith.constant 4 : i32
        %parallel_loop3A_654 = vector.broadcast %parallel_loop3A_653 : i32 to vector<16xi32>
        %parallel_loop3A_655 = arith.xori %iota3A, %parallel_loop3A_654 : vector<16xi32>
        %parallel_loop3A_656 = arith.constant 0 : i32
        %parallel_loop3A_657 = vector.broadcast %parallel_loop3A_656 : i32 to vector<16xi32>
        %parallel_loop3A_658 = arith.cmpi slt, %parallel_loop3A_655, %parallel_loop3A_657 : vector<16xi32>
        %parallel_loop3A_659 = arith.constant 16 : i32
        %parallel_loop3A_660 = vector.broadcast %parallel_loop3A_659 : i32 to vector<16xi32>
        %parallel_loop3A_661 = arith.addi %parallel_loop3A_655, %parallel_loop3A_660 : vector<16xi32>
        %parallel_loop3A_662 = arith.select %parallel_loop3A_658, %parallel_loop3A_661, %parallel_loop3A_655 : vector<16xi1>, vector<16xi32>
        %parallel_loop3A_663 = vector.shape_cast %parallel_loop3A_662 : vector<16xi32> to vector<16x1xi32>
        %parallel_loop3A_664 = vector.shape_cast %parallel_loop3A_663 : vector<16x1xi32> to vector<16xi32>
        %parallel_loop3A_665 = tpu.dynamic_gather %parallel_loop3A_652[%parallel_loop3A_664] in [0] : vector<16xf32>, vector<16xi32> -> vector<16xf32>
        %parallel_loop3A_666 = arith.addf %parallel_loop3A_652, %parallel_loop3A_665 : vector<16xf32>
        %parallel_loop3A_667 = arith.constant 2 : i32
        %parallel_loop3A_668 = vector.broadcast %parallel_loop3A_667 : i32 to vector<16xi32>
        %parallel_loop3A_669 = arith.xori %iota3A, %parallel_loop3A_668 : vector<16xi32>
        %parallel_loop3A_670 = arith.constant 0 : i32
        %parallel_loop3A_671 = vector.broadcast %parallel_loop3A_670 : i32 to vector<16xi32>
        %parallel_loop3A_672 = arith.cmpi slt, %parallel_loop3A_669, %parallel_loop3A_671 : vector<16xi32>
        %parallel_loop3A_673 = arith.constant 16 : i32
        %parallel_loop3A_674 = vector.broadcast %parallel_loop3A_673 : i32 to vector<16xi32>
        %parallel_loop3A_675 = arith.addi %parallel_loop3A_669, %parallel_loop3A_674 : vector<16xi32>
        %parallel_loop3A_676 = arith.select %parallel_loop3A_672, %parallel_loop3A_675, %parallel_loop3A_669 : vector<16xi1>, vector<16xi32>
        %parallel_loop3A_677 = vector.shape_cast %parallel_loop3A_676 : vector<16xi32> to vector<16x1xi32>
        %parallel_loop3A_678 = vector.shape_cast %parallel_loop3A_677 : vector<16x1xi32> to vector<16xi32>
        %parallel_loop3A_679 = tpu.dynamic_gather %parallel_loop3A_666[%parallel_loop3A_678] in [0] : vector<16xf32>, vector<16xi32> -> vector<16xf32>
        %parallel_loop3A_680 = arith.addf %parallel_loop3A_666, %parallel_loop3A_679 : vector<16xf32>
        %parallel_loop3A_681 = arith.constant 1 : i32
        %parallel_loop3A_682 = vector.broadcast %parallel_loop3A_681 : i32 to vector<16xi32>
        %parallel_loop3A_683 = arith.xori %iota3A, %parallel_loop3A_682 : vector<16xi32>
        %parallel_loop3A_684 = arith.constant 0 : i32
        %parallel_loop3A_685 = vector.broadcast %parallel_loop3A_684 : i32 to vector<16xi32>
        %parallel_loop3A_686 = arith.cmpi slt, %parallel_loop3A_683, %parallel_loop3A_685 : vector<16xi32>
        %parallel_loop3A_687 = arith.constant 16 : i32
        %parallel_loop3A_688 = vector.broadcast %parallel_loop3A_687 : i32 to vector<16xi32>
        %parallel_loop3A_689 = arith.addi %parallel_loop3A_683, %parallel_loop3A_688 : vector<16xi32>
        %parallel_loop3A_690 = arith.select %parallel_loop3A_686, %parallel_loop3A_689, %parallel_loop3A_683 : vector<16xi1>, vector<16xi32>
        %parallel_loop3A_691 = vector.shape_cast %parallel_loop3A_690 : vector<16xi32> to vector<16x1xi32>
        %parallel_loop3A_692 = vector.shape_cast %parallel_loop3A_691 : vector<16x1xi32> to vector<16xi32>
        %parallel_loop3A_693 = tpu.dynamic_gather %parallel_loop3A_680[%parallel_loop3A_692] in [0] : vector<16xf32>, vector<16xi32> -> vector<16xf32>
        %parallel_loop3A_694 = arith.addf %parallel_loop3A_680, %parallel_loop3A_693 : vector<16xf32>
        %parallel_loop3A_695 = arith.constant 16 : i32
        %parallel_loop3A_696 = arith.muli %parallel_loop3A_363, %parallel_loop3A_695 : i32
        %parallel_loop3A_697 = tpu.assume_multiple %parallel_loop3A_696, 16 : i32
        %parallel_loop3A_698 = arith.index_cast %parallel_loop3A_697 : i32 to index
        %parallel_loop3A_699 = tpu.vector_load %arg11[%parallel_loop3A_698] {strides = array<i32>} : memref<512xf32, #tpu.memory_space<vmem>>, vector<16xf32>,
        %parallel_loop3A_700 = vector.shape_cast %parallel_loop3A_699 : vector<16xf32> to vector<16xf32>
        %parallel_loop3A_701 = vector.shape_cast %parallel_loop3A_694 : vector<16xf32> to vector<16xf32>
        tpu.vector_store %arg11[%parallel_loop3A_698], %parallel_loop3A_701 {strides = array<i32>} : memref<512xf32, #tpu.memory_space<vmem>>, vector<16xf32>,
      } {sc.loop_unroll_factor = 2 : i64, sc.parallel_access}
      %broadcast_in_dim3A = arith.constant 0.000000e+00 : f32
      %broadcast_in_dim3A_121 = vector.broadcast %broadcast_in_dim3A : f32 to vector<16xf32>
      %get3A = arith.constant 0 : index
      %get3A_122 = tpu.vector_load %arg11[%get3A] {strides = array<i32>} : memref<512xf32, #tpu.memory_space<vmem>>, vector<16xf32>,
      %get3A_123 = vector.shape_cast %get3A_122 : vector<16xf32> to vector<16xf32>
      %eq3A_124 = arith.constant 0 : i32
      %eq3A_125 = vector.broadcast %eq3A_124 : i32 to vector<16xi32>
      %eq3A_126 = arith.cmpi eq, %iota3A, %eq3A_125 : vector<16xi32>
      %select_n3A = arith.select %eq3A_126, %get3A_123, %broadcast_in_dim3A_121 : vector<16xi1>, vector<16xf32>
      %get3A_127 = arith.constant 16 : index
      %get3A_128 = tpu.vector_load %arg11[%get3A_127] {strides = array<i32>} : memref<512xf32, #tpu.memory_space<vmem>>, vector<16xf32>,
      %get3A_129 = vector.shape_cast %get3A_128 : vector<16xf32> to vector<16xf32>
      %eq3A_130 = arith.constant 1 : i32
      %eq3A_131 = vector.broadcast %eq3A_130 : i32 to vector<16xi32>
      %eq3A_132 = arith.cmpi eq, %iota3A, %eq3A_131 : vector<16xi32>
      %select_n3A_133 = arith.select %eq3A_132, %get3A_129, %select_n3A : vector<16xi1>, vector<16xf32>
      %get3A_134 = arith.constant 32 : index
      %get3A_135 = tpu.vector_load %arg11[%get3A_134] {strides = array<i32>} : memref<512xf32, #tpu.memory_space<vmem>>, vector<16xf32>,
      %get3A_136 = vector.shape_cast %get3A_135 : vector<16xf32> to vector<16xf32>
      %eq3A_137 = arith.constant 2 : i32
      %eq3A_138 = vector.broadcast %eq3A_137 : i32 to vector<16xi32>
      %eq3A_139 = arith.cmpi eq, %iota3A, %eq3A_138 : vector<16xi32>
      %select_n3A_140 = arith.select %eq3A_139, %get3A_136, %select_n3A_133 : vector<16xi1>, vector<16xf32>
      %get3A_141 = arith.constant 48 : index
      %get3A_142 = tpu.vector_load %arg11[%get3A_141] {strides = array<i32>} : memref<512xf32, #tpu.memory_space<vmem>>, vector<16xf32>,
      %get3A_143 = vector.shape_cast %get3A_142 : vector<16xf32> to vector<16xf32>
      %eq3A_144 = arith.constant 3 : i32
      %eq3A_145 = vector.broadcast %eq3A_144 : i32 to vector<16xi32>
      %eq3A_146 = arith.cmpi eq, %iota3A, %eq3A_145 : vector<16xi32>
      %select_n3A_147 = arith.select %eq3A_146, %get3A_143, %select_n3A_140 : vector<16xi1>, vector<16xf32>
      %get3A_148 = arith.constant 64 : index
      %get3A_149 = tpu.vector_load %arg11[%get3A_148] {strides = array<i32>} : memref<512xf32, #tpu.memory_space<vmem>>, vector<16xf32>,
      %get3A_150 = vector.shape_cast %get3A_149 : vector<16xf32> to vector<16xf32>
      %eq3A_151 = arith.constant 4 : i32
      %eq3A_152 = vector.broadcast %eq3A_151 : i32 to vector<16xi32>
      %eq3A_153 = arith.cmpi eq, %iota3A, %eq3A_152 : vector<16xi32>
      %select_n3A_154 = arith.select %eq3A_153, %get3A_150, %select_n3A_147 : vector<16xi1>, vector<16xf32>
      %get3A_155 = arith.constant 80 : index
      %get3A_156 = tpu.vector_load %arg11[%get3A_155] {strides = array<i32>} : memref<512xf32, #tpu.memory_space<vmem>>, vector<16xf32>,
      %get3A_157 = vector.shape_cast %get3A_156 : vector<16xf32> to vector<16xf32>
      %eq3A_158 = arith.constant 5 : i32
      %eq3A_159 = vector.broadcast %eq3A_158 : i32 to vector<16xi32>
      %eq3A_160 = arith.cmpi eq, %iota3A, %eq3A_159 : vector<16xi32>
      %select_n3A_161 = arith.select %eq3A_160, %get3A_157, %select_n3A_154 : vector<16xi1>, vector<16xf32>
      %get3A_162 = arith.constant 96 : index
      %get3A_163 = tpu.vector_load %arg11[%get3A_162] {strides = array<i32>} : memref<512xf32, #tpu.memory_space<vmem>>, vector<16xf32>,
      %get3A_164 = vector.shape_cast %get3A_163 : vector<16xf32> to vector<16xf32>
      %eq3A_165 = arith.constant 6 : i32
      %eq3A_166 = vector.broadcast %eq3A_165 : i32 to vector<16xi32>
      %eq3A_167 = arith.cmpi eq, %iota3A, %eq3A_166 : vector<16xi32>
      %select_n3A_168 = arith.select %eq3A_167, %get3A_164, %select_n3A_161 : vector<16xi1>, vector<16xf32>
      %get3A_169 = arith.constant 112 : index
      %get3A_170 = tpu.vector_load %arg11[%get3A_169] {strides = array<i32>} : memref<512xf32, #tpu.memory_space<vmem>>, vector<16xf32>,
      %get3A_171 = vector.shape_cast %get3A_170 : vector<16xf32> to vector<16xf32>
      %eq3A_172 = arith.constant 7 : i32
      %eq3A_173 = vector.broadcast %eq3A_172 : i32 to vector<16xi32>
      %eq3A_174 = arith.cmpi eq, %iota3A, %eq3A_173 : vector<16xi32>
      %select_n3A_175 = arith.select %eq3A_174, %get3A_171, %select_n3A_168 : vector<16xi1>, vector<16xf32>
      %get3A_176 = arith.constant 128 : index
      %get3A_177 = tpu.vector_load %arg11[%get3A_176] {strides = array<i32>} : memref<512xf32, #tpu.memory_space<vmem>>, vector<16xf32>,
      %get3A_178 = vector.shape_cast %get3A_177 : vector<16xf32> to vector<16xf32>
      %eq3A_179 = arith.constant 8 : i32
      %eq3A_180 = vector.broadcast %eq3A_179 : i32 to vector<16xi32>
      %eq3A_181 = arith.cmpi eq, %iota3A, %eq3A_180 : vector<16xi32>
      %select_n3A_182 = arith.select %eq3A_181, %get3A_178, %select_n3A_175 : vector<16xi1>, vector<16xf32>
      %get3A_183 = arith.constant 144 : index
      %get3A_184 = tpu.vector_load %arg11[%get3A_183] {strides = array<i32>} : memref<512xf32, #tpu.memory_space<vmem>>, vector<16xf32>,
      %get3A_185 = vector.shape_cast %get3A_184 : vector<16xf32> to vector<16xf32>
      %eq3A_186 = arith.constant 9 : i32
      %eq3A_187 = vector.broadcast %eq3A_186 : i32 to vector<16xi32>
      %eq3A_188 = arith.cmpi eq, %iota3A, %eq3A_187 : vector<16xi32>
      %select_n3A_189 = arith.select %eq3A_188, %get3A_185, %select_n3A_182 : vector<16xi1>, vector<16xf32>
      %get3A_190 = arith.constant 160 : index
      %get3A_191 = tpu.vector_load %arg11[%get3A_190] {strides = array<i32>} : memref<512xf32, #tpu.memory_space<vmem>>, vector<16xf32>,
      %get3A_192 = vector.shape_cast %get3A_191 : vector<16xf32> to vector<16xf32>
      %eq3A_193 = arith.constant 10 : i32
      %eq3A_194 = vector.broadcast %eq3A_193 : i32 to vector<16xi32>
      %eq3A_195 = arith.cmpi eq, %iota3A, %eq3A_194 : vector<16xi32>
      %select_n3A_196 = arith.select %eq3A_195, %get3A_192, %select_n3A_189 : vector<16xi1>, vector<16xf32>
      %get3A_197 = arith.constant 176 : index
      %get3A_198 = tpu.vector_load %arg11[%get3A_197] {strides = array<i32>} : memref<512xf32, #tpu.memory_space<vmem>>, vector<16xf32>,
      %get3A_199 = vector.shape_cast %get3A_198 : vector<16xf32> to vector<16xf32>
      %eq3A_200 = arith.constant 11 : i32
      %eq3A_201 = vector.broadcast %eq3A_200 : i32 to vector<16xi32>
      %eq3A_202 = arith.cmpi eq, %iota3A, %eq3A_201 : vector<16xi32>
      %select_n3A_203 = arith.select %eq3A_202, %get3A_199, %select_n3A_196 : vector<16xi1>, vector<16xf32>
      %get3A_204 = arith.constant 192 : index
      %get3A_205 = tpu.vector_load %arg11[%get3A_204] {strides = array<i32>} : memref<512xf32, #tpu.memory_space<vmem>>, vector<16xf32>,
      %get3A_206 = vector.shape_cast %get3A_205 : vector<16xf32> to vector<16xf32>
      %eq3A_207 = arith.constant 12 : i32
      %eq3A_208 = vector.broadcast %eq3A_207 : i32 to vector<16xi32>
      %eq3A_209 = arith.cmpi eq, %iota3A, %eq3A_208 : vector<16xi32>
      %select_n3A_210 = arith.select %eq3A_209, %get3A_206, %select_n3A_203 : vector<16xi1>, vector<16xf32>
      %get3A_211 = arith.constant 208 : index
      %get3A_212 = tpu.vector_load %arg11[%get3A_211] {strides = array<i32>} : memref<512xf32, #tpu.memory_space<vmem>>, vector<16xf32>,
      %get3A_213 = vector.shape_cast %get3A_212 : vector<16xf32> to vector<16xf32>
      %eq3A_214 = arith.constant 13 : i32
      %eq3A_215 = vector.broadcast %eq3A_214 : i32 to vector<16xi32>
      %eq3A_216 = arith.cmpi eq, %iota3A, %eq3A_215 : vector<16xi32>
      %select_n3A_217 = arith.select %eq3A_216, %get3A_213, %select_n3A_210 : vector<16xi1>, vector<16xf32>
      %get3A_218 = arith.constant 224 : index
      %get3A_219 = tpu.vector_load %arg11[%get3A_218] {strides = array<i32>} : memref<512xf32, #tpu.memory_space<vmem>>, vector<16xf32>,
      %get3A_220 = vector.shape_cast %get3A_219 : vector<16xf32> to vector<16xf32>
      %eq3A_221 = arith.constant 14 : i32
      %eq3A_222 = vector.broadcast %eq3A_221 : i32 to vector<16xi32>
      %eq3A_223 = arith.cmpi eq, %iota3A, %eq3A_222 : vector<16xi32>
      %select_n3A_224 = arith.select %eq3A_223, %get3A_220, %select_n3A_217 : vector<16xi1>, vector<16xf32>
      %get3A_225 = arith.constant 240 : index
      %get3A_226 = tpu.vector_load %arg11[%get3A_225] {strides = array<i32>} : memref<512xf32, #tpu.memory_space<vmem>>, vector<16xf32>,
      %get3A_227 = vector.shape_cast %get3A_226 : vector<16xf32> to vector<16xf32>
      %eq3A_228 = arith.constant 15 : i32
      %eq3A_229 = vector.broadcast %eq3A_228 : i32 to vector<16xi32>
      %eq3A_230 = arith.cmpi eq, %iota3A, %eq3A_229 : vector<16xi32>
      %select_n3A_231 = arith.select %eq3A_230, %get3A_227, %select_n3A_224 : vector<16xi1>, vector<16xf32>
      %mul3A_232 = arith.constant 32 : i32
      %mul3A_233 = arith.muli %scan3A_71, %mul3A_232 : i32
      %multiple_of3A_234 = tpu.assume_multiple %mul3A_233, 32 : i32
      %add3A_235 = arith.constant 0 : i32
      %add3A_236 = arith.addi %multiple_of3A_234, %add3A_235 : i32
      %swap3A = arith.index_cast %add3A_236 : i32 to index
      %swap3A_237 = tpu.vector_load %arg10[%swap3A] {strides = array<i32>} : memref<512xf32, #tpu.memory_space<vmem>>, vector<16xf32>,
      %swap3A_238 = vector.shape_cast %swap3A_237 : vector<16xf32> to vector<16xf32>
      %swap3A_239 = vector.shape_cast %select_n3A_231 : vector<16xf32> to vector<16xf32>
      tpu.vector_store %arg10[%swap3A], %swap3A_239 {strides = array<i32>} : memref<512xf32, #tpu.memory_space<vmem>>, vector<16xf32>,
      %broadcast_in_dim3A_240 = arith.constant 0.000000e+00 : f32
      %broadcast_in_dim3A_241 = vector.broadcast %broadcast_in_dim3A_240 : f32 to vector<16xf32>
      %get3A_242 = arith.constant 256 : index
      %get3A_243 = tpu.vector_load %arg11[%get3A_242] {strides = array<i32>} : memref<512xf32, #tpu.memory_space<vmem>>, vector<16xf32>,
      %get3A_244 = vector.shape_cast %get3A_243 : vector<16xf32> to vector<16xf32>
      %eq3A_245 = arith.constant 0 : i32
      %eq3A_246 = vector.broadcast %eq3A_245 : i32 to vector<16xi32>
      %eq3A_247 = arith.cmpi eq, %iota3A, %eq3A_246 : vector<16xi32>
      %select_n3A_248 = arith.select %eq3A_247, %get3A_244, %broadcast_in_dim3A_241 : vector<16xi1>, vector<16xf32>
      %get3A_249 = arith.constant 272 : index
      %get3A_250 = tpu.vector_load %arg11[%get3A_249] {strides = array<i32>} : memref<512xf32, #tpu.memory_space<vmem>>, vector<16xf32>,
      %get3A_251 = vector.shape_cast %get3A_250 : vector<16xf32> to vector<16xf32>
      %eq3A_252 = arith.constant 1 : i32
      %eq3A_253 = vector.broadcast %eq3A_252 : i32 to vector<16xi32>
      %eq3A_254 = arith.cmpi eq, %iota3A, %eq3A_253 : vector<16xi32>
      %select_n3A_255 = arith.select %eq3A_254, %get3A_251, %select_n3A_248 : vector<16xi1>, vector<16xf32>
      %get3A_256 = arith.constant 288 : index
      %get3A_257 = tpu.vector_load %arg11[%get3A_256] {strides = array<i32>} : memref<512xf32, #tpu.memory_space<vmem>>, vector<16xf32>,
      %get3A_258 = vector.shape_cast %get3A_257 : vector<16xf32> to vector<16xf32>
      %eq3A_259 = arith.constant 2 : i32
      %eq3A_260 = vector.broadcast %eq3A_259 : i32 to vector<16xi32>
      %eq3A_261 = arith.cmpi eq, %iota3A, %eq3A_260 : vector<16xi32>
      %select_n3A_262 = arith.select %eq3A_261, %get3A_258, %select_n3A_255 : vector<16xi1>, vector<16xf32>
      %get3A_263 = arith.constant 304 : index
      %get3A_264 = tpu.vector_load %arg11[%get3A_263] {strides = array<i32>} : memref<512xf32, #tpu.memory_space<vmem>>, vector<16xf32>,
      %get3A_265 = vector.shape_cast %get3A_264 : vector<16xf32> to vector<16xf32>
      %eq3A_266 = arith.constant 3 : i32
      %eq3A_267 = vector.broadcast %eq3A_266 : i32 to vector<16xi32>
      %eq3A_268 = arith.cmpi eq, %iota3A, %eq3A_267 : vector<16xi32>
      %select_n3A_269 = arith.select %eq3A_268, %get3A_265, %select_n3A_262 : vector<16xi1>, vector<16xf32>
      %get3A_270 = arith.constant 320 : index
      %get3A_271 = tpu.vector_load %arg11[%get3A_270] {strides = array<i32>} : memref<512xf32, #tpu.memory_space<vmem>>, vector<16xf32>,
      %get3A_272 = vector.shape_cast %get3A_271 : vector<16xf32> to vector<16xf32>
      %eq3A_273 = arith.constant 4 : i32
      %eq3A_274 = vector.broadcast %eq3A_273 : i32 to vector<16xi32>
      %eq3A_275 = arith.cmpi eq, %iota3A, %eq3A_274 : vector<16xi32>
      %select_n3A_276 = arith.select %eq3A_275, %get3A_272, %select_n3A_269 : vector<16xi1>, vector<16xf32>
      %get3A_277 = arith.constant 336 : index
      %get3A_278 = tpu.vector_load %arg11[%get3A_277] {strides = array<i32>} : memref<512xf32, #tpu.memory_space<vmem>>, vector<16xf32>,
      %get3A_279 = vector.shape_cast %get3A_278 : vector<16xf32> to vector<16xf32>
      %eq3A_280 = arith.constant 5 : i32
      %eq3A_281 = vector.broadcast %eq3A_280 : i32 to vector<16xi32>
      %eq3A_282 = arith.cmpi eq, %iota3A, %eq3A_281 : vector<16xi32>
      %select_n3A_283 = arith.select %eq3A_282, %get3A_279, %select_n3A_276 : vector<16xi1>, vector<16xf32>
      %get3A_284 = arith.constant 352 : index
      %get3A_285 = tpu.vector_load %arg11[%get3A_284] {strides = array<i32>} : memref<512xf32, #tpu.memory_space<vmem>>, vector<16xf32>,
      %get3A_286 = vector.shape_cast %get3A_285 : vector<16xf32> to vector<16xf32>
      %eq3A_287 = arith.constant 6 : i32
      %eq3A_288 = vector.broadcast %eq3A_287 : i32 to vector<16xi32>
      %eq3A_289 = arith.cmpi eq, %iota3A, %eq3A_288 : vector<16xi32>
      %select_n3A_290 = arith.select %eq3A_289, %get3A_286, %select_n3A_283 : vector<16xi1>, vector<16xf32>
      %get3A_291 = arith.constant 368 : index
      %get3A_292 = tpu.vector_load %arg11[%get3A_291] {strides = array<i32>} : memref<512xf32, #tpu.memory_space<vmem>>, vector<16xf32>,
      %get3A_293 = vector.shape_cast %get3A_292 : vector<16xf32> to vector<16xf32>
      %eq3A_294 = arith.constant 7 : i32
      %eq3A_295 = vector.broadcast %eq3A_294 : i32 to vector<16xi32>
      %eq3A_296 = arith.cmpi eq, %iota3A, %eq3A_295 : vector<16xi32>
      %select_n3A_297 = arith.select %eq3A_296, %get3A_293, %select_n3A_290 : vector<16xi1>, vector<16xf32>
      %get3A_298 = arith.constant 384 : index
      %get3A_299 = tpu.vector_load %arg11[%get3A_298] {strides = array<i32>} : memref<512xf32, #tpu.memory_space<vmem>>, vector<16xf32>,
      %get3A_300 = vector.shape_cast %get3A_299 : vector<16xf32> to vector<16xf32>
      %eq3A_301 = arith.constant 8 : i32
      %eq3A_302 = vector.broadcast %eq3A_301 : i32 to vector<16xi32>
      %eq3A_303 = arith.cmpi eq, %iota3A, %eq3A_302 : vector<16xi32>
      %select_n3A_304 = arith.select %eq3A_303, %get3A_300, %select_n3A_297 : vector<16xi1>, vector<16xf32>
      %get3A_305 = arith.constant 400 : index
      %get3A_306 = tpu.vector_load %arg11[%get3A_305] {strides = array<i32>} : memref<512xf32, #tpu.memory_space<vmem>>, vector<16xf32>,
      %get3A_307 = vector.shape_cast %get3A_306 : vector<16xf32> to vector<16xf32>
      %eq3A_308 = arith.constant 9 : i32
      %eq3A_309 = vector.broadcast %eq3A_308 : i32 to vector<16xi32>
      %eq3A_310 = arith.cmpi eq, %iota3A, %eq3A_309 : vector<16xi32>
      %select_n3A_311 = arith.select %eq3A_310, %get3A_307, %select_n3A_304 : vector<16xi1>, vector<16xf32>
      %get3A_312 = arith.constant 416 : index
      %get3A_313 = tpu.vector_load %arg11[%get3A_312] {strides = array<i32>} : memref<512xf32, #tpu.memory_space<vmem>>, vector<16xf32>,
      %get3A_314 = vector.shape_cast %get3A_313 : vector<16xf32> to vector<16xf32>
      %eq3A_315 = arith.constant 10 : i32
      %eq3A_316 = vector.broadcast %eq3A_315 : i32 to vector<16xi32>
      %eq3A_317 = arith.cmpi eq, %iota3A, %eq3A_316 : vector<16xi32>
      %select_n3A_318 = arith.select %eq3A_317, %get3A_314, %select_n3A_311 : vector<16xi1>, vector<16xf32>
      %get3A_319 = arith.constant 432 : index
      %get3A_320 = tpu.vector_load %arg11[%get3A_319] {strides = array<i32>} : memref<512xf32, #tpu.memory_space<vmem>>, vector<16xf32>,
      %get3A_321 = vector.shape_cast %get3A_320 : vector<16xf32> to vector<16xf32>
      %eq3A_322 = arith.constant 11 : i32
      %eq3A_323 = vector.broadcast %eq3A_322 : i32 to vector<16xi32>
      %eq3A_324 = arith.cmpi eq, %iota3A, %eq3A_323 : vector<16xi32>
      %select_n3A_325 = arith.select %eq3A_324, %get3A_321, %select_n3A_318 : vector<16xi1>, vector<16xf32>
      %get3A_326 = arith.constant 448 : index
      %get3A_327 = tpu.vector_load %arg11[%get3A_326] {strides = array<i32>} : memref<512xf32, #tpu.memory_space<vmem>>, vector<16xf32>,
      %get3A_328 = vector.shape_cast %get3A_327 : vector<16xf32> to vector<16xf32>
      %eq3A_329 = arith.constant 12 : i32
      %eq3A_330 = vector.broadcast %eq3A_329 : i32 to vector<16xi32>
      %eq3A_331 = arith.cmpi eq, %iota3A, %eq3A_330 : vector<16xi32>
      %select_n3A_332 = arith.select %eq3A_331, %get3A_328, %select_n3A_325 : vector<16xi1>, vector<16xf32>
      %get3A_333 = arith.constant 464 : index
      %get3A_334 = tpu.vector_load %arg11[%get3A_333] {strides = array<i32>} : memref<512xf32, #tpu.memory_space<vmem>>, vector<16xf32>,
      %get3A_335 = vector.shape_cast %get3A_334 : vector<16xf32> to vector<16xf32>
      %eq3A_336 = arith.constant 13 : i32
      %eq3A_337 = vector.broadcast %eq3A_336 : i32 to vector<16xi32>
      %eq3A_338 = arith.cmpi eq, %iota3A, %eq3A_337 : vector<16xi32>
      %select_n3A_339 = arith.select %eq3A_338, %get3A_335, %select_n3A_332 : vector<16xi1>, vector<16xf32>
      %get3A_340 = arith.constant 480 : index
      %get3A_341 = tpu.vector_load %arg11[%get3A_340] {strides = array<i32>} : memref<512xf32, #tpu.memory_space<vmem>>, vector<16xf32>,
      %get3A_342 = vector.shape_cast %get3A_341 : vector<16xf32> to vector<16xf32>
      %eq3A_343 = arith.constant 14 : i32
      %eq3A_344 = vector.broadcast %eq3A_343 : i32 to vector<16xi32>
      %eq3A_345 = arith.cmpi eq, %iota3A, %eq3A_344 : vector<16xi32>
      %select_n3A_346 = arith.select %eq3A_345, %get3A_342, %select_n3A_339 : vector<16xi1>, vector<16xf32>
      %get3A_347 = arith.constant 496 : index
      %get3A_348 = tpu.vector_load %arg11[%get3A_347] {strides = array<i32>} : memref<512xf32, #tpu.memory_space<vmem>>, vector<16xf32>,
      %get3A_349 = vector.shape_cast %get3A_348 : vector<16xf32> to vector<16xf32>
      %eq3A_350 = arith.constant 15 : i32
      %eq3A_351 = vector.broadcast %eq3A_350 : i32 to vector<16xi32>
      %eq3A_352 = arith.cmpi eq, %iota3A, %eq3A_351 : vector<16xi32>
      %select_n3A_353 = arith.select %eq3A_352, %get3A_349, %select_n3A_346 : vector<16xi1>, vector<16xf32>
      %mul3A_354 = arith.constant 32 : i32
      %mul3A_355 = arith.muli %scan3A_71, %mul3A_354 : i32
      %multiple_of3A_356 = tpu.assume_multiple %mul3A_355, 32 : i32
      %add3A_357 = arith.constant 16 : i32
      %add3A_358 = arith.addi %multiple_of3A_356, %add3A_357 : i32
      %swap3A_359 = arith.index_cast %add3A_358 : i32 to index
      %swap3A_360 = tpu.vector_load %arg10[%swap3A_359] {strides = array<i32>} : memref<512xf32, #tpu.memory_space<vmem>>, vector<16xf32>,
      %swap3A_361 = vector.shape_cast %swap3A_360 : vector<16xf32> to vector<16xf32>
      %swap3A_362 = vector.shape_cast %select_n3A_353 : vector<16xf32> to vector<16xf32>
      tpu.vector_store %arg10[%swap3A_359], %swap3A_362 {strides = array<i32>} : memref<512xf32, #tpu.memory_space<vmem>>, vector<16xf32>,
    }
    %scan3A_70 = arith.constant 16 : i32
    "tpu.region"() ({
      %run_scoped3A = tpu.sem_alloc : memref<!tpu.dma_semaphore, #tpu.memory_space<semaphore_mem>>
      %dma_start3A_71 = arith.constant 0 : i32
      %dma_start3A_72 = tpu.memref_slice %arg5[%add3A, %dma_start3A_71] : memref<32x512xf32, #tpu.memory_space<hbm>> -> memref<1x512xf32, #tpu.memory_space<hbm>>
      %dma_start3A_73 = tpu.memref_squeeze %dma_start3A_72 : memref<1x512xf32, #tpu.memory_space<hbm>> -> memref<512xf32, #tpu.memory_space<hbm>>
      %dma_start3A_74 = arith.constant 0 : i32
      %dma_start3A_75 = tpu.memref_slice %arg5[%add3A, %dma_start3A_74] : memref<32x512xf32, #tpu.memory_space<hbm>> -> memref<1x512xf32, #tpu.memory_space<hbm>>
      %dma_start3A_76 = tpu.memref_squeeze %dma_start3A_75 : memref<1x512xf32, #tpu.memory_space<hbm>> -> memref<512xf32, #tpu.memory_space<hbm>>
      tpu.enqueue_dma source(%arg10 : memref<512xf32, #tpu.memory_space<vmem>>) target(%dma_start3A_76 : memref<512xf32, #tpu.memory_space<hbm>>) target_semaphore(%run_scoped3A : memref<!tpu.dma_semaphore, #tpu.memory_space<semaphore_mem>>)
      %dma_wait3A = arith.constant 0 : i32
      %dma_wait3A_77 = tpu.memref_slice %arg5[%add3A, %dma_wait3A] : memref<32x512xf32, #tpu.memory_space<hbm>> -> memref<1x512xf32, #tpu.memory_space<hbm>>
      %dma_wait3A_78 = tpu.memref_squeeze %dma_wait3A_77 : memref<1x512xf32, #tpu.memory_space<hbm>> -> memref<512xf32, #tpu.memory_space<hbm>>
      %dma_wait3A_79 = arith.constant 0 : i32
      %dma_wait3A_80 = tpu.memref_slice %arg5[%add3A, %dma_wait3A_79] : memref<32x512xf32, #tpu.memory_space<hbm>> -> memref<1x512xf32, #tpu.memory_space<hbm>>
      %dma_wait3A_81 = tpu.memref_squeeze %dma_wait3A_80 : memref<1x512xf32, #tpu.memory_space<hbm>> -> memref<512xf32, #tpu.memory_space<hbm>>
      tpu.wait_dma2 semaphore(%run_scoped3A : memref<!tpu.dma_semaphore, #tpu.memory_space<semaphore_mem>>) src(%arg10 : memref<512xf32, #tpu.memory_space<vmem>>) dst(%dma_wait3A_81 : memref<512xf32, #tpu.memory_space<hbm>>)
      tpu.yield
    }) : () -> ()
    return
  }
}

</mosaic_0001>

<sc_bundles>
// kernel: kernel.3.cloned.1.call-start
scs
__scs_entry_jumppad:
0x0: {  	(pc) =	sbr.rel $0x88, $3  }
0x1: {  	(tag) =	ssettag $0x0;
	lr =	simm.s32 $0x1  }
0x2: {  	[smem:$0x3F9E] =	sst lr;
	_ =	strace $0xD0000000  }
0x3: {  	_ = 	snop  }
0x4: {  	_ = 	snop  }
0x5: {  	_ = 	snop  }
0x6: {  	_ = 	snop  }
0x7: {  	_ = 	snop  }
__scs_overlays_trampoline_lowered:
0x8: {  	[smem:$0x3FAD] =	sst s0  }
0x9: {  	[smem:$0x3FAE] =	sst s1  }
0xa: {  	[smem:$0x3FAF] =	sst s2  }
0xb: {  	[smem:$0x3FB0] =	sst s3  }
0xc: {  	[smem:$0x3FB1] =	sst s4  }
0xd: {  	[smem:$0x3FB2] =	sst s5  }
0xe: {  	[smem:$0x3FB3] =	sst s6  }
0xf: {  	[smem:$0x3FB4] =	sst s7  }
0x10: {  	[smem:$0x3FB5] =	sst s8  }
0x11: {  	[smem:$0x3FB6] =	sst s9;
	s0 =	simm.s32 @!p0 $0x0  }
0x12: {  	s1 =	sld [smem:$0x3F9C];
	s0 =	simm.s32 @p0 $0x1  }
0x13: {  	[smem:$0x3FB7] =	sst s0;
	s0 =	simm.s32 @!p1 $0x0  }
0x14: {  	s2 =	sld [smem:$0x3F9B];
	s0 =	simm.s32 @p1 $0x1  }
0x15: {  	[smem:$0x3FB8] =	sst s0;
	s0 =	simm.s32 @!p2 $0x0  }
0x16: {  	s3 =	sld [smem:$0x3FDB];
	s0 =	simm.s32 @p2 $0x1  }
0x17: {  	s4 =	simm.s32 $0x1BF5;
	[smem:$0x3FBA] =	sst s0  }
0x18: {  	s0 =	sld [smem:$0x3F9D];
	_ =	swait.ge [sflag:s4], $0x0  }
0x19: {  	s7 =	sld [smem:$0x3F9E]  }
0x1a: {  	s8 =	sadd.s32 $0xFFFFE003, lr  }
0x1b: {  	s9 =	sadd.s32 $0xFFFFFEF7, lr;
	s5 =	simm.s32 $0xFFFFFFFF;
	p2 =	slt.u32 s8, $0xFFFFF086  }
0x1c: {  	p1 =	slt.u32 s9, $0xF7A;
	s5 =	simm.s32 @!p2 $0x0  }
0x1d: {  	s5 =	simm.s32 @p1 $0x1;
	p0 =	seq.s32 s7, s2  }
0x1e: {  	s7 =	smul.u32 @!p0 $0xF7A, s2;
	p2 =	seq.s32 @!p0 s5, $0x0  }
0x1f: {  	s9 =	smul.u32 $0xF7A, s1;
	s8 =	simm.s32 @!p0 $0x1BF5;
	p2 =	por !p2, p0  }
0x20: {  	[sflag:s8] =	ssyncset.s32 @!p0 $0xFFFFF086;
	s6 =	sadd.s32 @!p0 s3, s7;
	s7 =	simm.s32 @!p0 $0x108  }
0x21: {  	s3 =	sadd.s32 s3, s9;
	s6 =	sadd.s32 @!p0 $0x88, s6;
	s7 =	simm.s32 @p2 $0x1082  }
0x22: {  	[simem:s7], [sflag:s8] =	dma.local @!p0 [hbm:s6], $0xF7A  }
0x23: {  	s9 =	sor.u32 $0xD0000000, s2;
	s6 =	simm.s32 $0x108;
	_ =	swait.ge @!p0 [sflag:s8], $0x0  }
0x24: {  	s3 =	sadd.s32 $0x88, s3;
	s6 =	simm.s32 @!p1 $0x1082;
	[sflag:s4] =	ssyncset.s32 $0xFFFFF086  }
0x25: {  	[simem:s6], [sflag:s4] =	dma.local [hbm:s3], $0xF7A  }
0x26: {  	[smem:$0x3F9E] =	sst s1;
	(tag) =	ssettag s2;
	_ =	strace s9  }
0x27: {  	s1 =	sld [smem:$0x3FAE]  }
0x28: {  	s2 =	sld [smem:$0x3FAF]  }
0x29: {  	s4 =	sld [smem:$0x3FB1]  }
0x2a: {  	p0 =	seq.s32 s5, $0x0;
	s5 =	sld [smem:$0x3FB2]  }
0x2b: {  	s6 =	sld [smem:$0x3FB3]  }
0x2c: {  	s7 =	sld [smem:$0x3FB4]  }
0x2d: {  	s3 =	simm.s32 $0x108;
	s8 =	sld [smem:$0x3FB5]  }
0x2e: {  	s3 =	simm.s32 @!p0 $0x1082;
	s9 =	sld [smem:$0x3FB6]  }
0x2f: {  	lr =	sadd.s32 s0, s3;
	s0 =	sld [smem:$0x3FAD]  }
0x30: {  	s3 =	sld [smem:$0x3FB0]  }
0x31: {  	[smem:$0x3FB9] =	sst s10  }
0x32: {  	s10 =	sld [smem:$0x3FB7];
	_ =	sdelay $0x3  }
0x33: {  	p0 =	seq.s32 s10, $0x1;
	s10 =	sld [smem:$0x3FB9];
	_ =	sdelay $0x3  }
0x34: {  	[smem:$0x3FB9] =	sst s10  }
0x35: {  	s10 =	sld [smem:$0x3FB8];
	_ =	sdelay $0x3  }
0x36: {  	p1 =	seq.s32 s10, $0x1;
	s10 =	sld [smem:$0x3FB9];
	_ =	sdelay $0x3  }
0x37: {  	[smem:$0x3FB9] =	sst s10  }
0x38: {  	s10 =	sld [smem:$0x3FBA]  }
0x39: {  	_ = 	snop;
	(pc) =	sbr.ind lr, $3  }
0x3a: {  	_ = 	snop  }
0x3b: {  	_ = 	snop  }
0x3c: {  	p2 =	seq.s32 s10, $0x1;
	s10 =	sld [smem:$0x3FB9]  }
0x3d: {  	_ =	shalt  }
0x3e: {  	_ =	shalt  }
0x3f: {  	_ =	shalt  }
0x40: {  	_ =	shalt  }
0x41: {  	_ =	shalt  }
0x42: {  	_ =	shalt  }
0x43: {  	_ =	shalt  }
0x44: {  	_ =	shalt  }
0x45: {  	_ =	shalt  }
0x46: {  	_ =	shalt  }
0x47: {  	_ =	shalt  }
0x48: {  	_ =	shalt  }
0x49: {  	_ =	shalt  }
0x4a: {  	_ =	shalt  }
0x4b: {  	_ =	shalt  }
0x4c: {  	_ =	shalt  }
0x4d: {  	_ =	shalt  }
0x4e: {  	_ =	shalt  }
0x4f: {  	_ =	shalt  }
0x50: {  	_ =	shalt  }
0x51: {  	_ =	shalt  }
0x52: {  	_ =	shalt  }
0x53: {  	_ =	shalt  }
0x54: {  	_ =	shalt  }
0x55: {  	_ =	shalt  }
0x56: {  	_ =	shalt  }
0x57: {  	_ =	shalt  }
0x58: {  	_ =	shalt  }
0x59: {  	_ =	shalt  }
0x5a: {  	_ =	shalt  }
0x5b: {  	_ =	shalt  }
0x5c: {  	_ =	shalt  }
0x5d: {  	_ =	shalt  }
0x5e: {  	_ =	shalt  }
0x5f: {  	_ =	shalt  }
0x60: {  	_ =	shalt  }
0x61: {  	_ =	shalt  }
0x62: {  	_ =	shalt  }
0x63: {  	_ =	shalt  }
0x64: {  	_ =	shalt  }
0x65: {  	_ =	shalt  }
0x66: {  	_ =	shalt  }
0x67: {  	_ =	shalt  }
0x68: {  	_ =	shalt  }
0x69: {  	_ =	shalt  }
0x6a: {  	_ =	shalt  }
0x6b: {  	_ =	shalt  }
0x6c: {  	_ =	shalt  }
0x6d: {  	_ =	shalt  }
0x6e: {  	_ =	shalt  }
0x6f: {  	_ =	shalt  }
0x70: {  	_ =	shalt  }
0x71: {  	_ =	shalt  }
0x72: {  	_ =	shalt  }
0x73: {  	_ =	shalt  }
0x74: {  	_ =	shalt  }
0x75: {  	_ =	shalt  }
0x76: {  	_ =	shalt  }
0x77: {  	_ =	shalt  }
0x78: {  	_ =	shalt  }
0x79: {  	_ =	shalt  }
0x7a: {  	_ =	shalt  }
0x7b: {  	_ =	shalt  }
0x7c: {  	_ =	shalt  }
0x7d: {  	_ =	shalt  }
0x7e: {  	_ =	shalt  }
0x7f: {  	_ =	shalt  }
0x80: {  	_ =	shalt  }
0x81: {  	_ =	shalt  }
0x82: {  	_ =	shalt  }
0x83: {  	_ =	shalt  }
0x84: {  	_ =	shalt  }
0x85: {  	_ =	shalt  }
0x86: {  	_ =	shalt  }
0x87: {  	_ =	shalt  }
.Lfunc_end0:
.L_simem_size_0:
called_computation_lowered:
.L_overlay_start_0:
0x88: {  	s2 =	sld [smem:$0x3FD9]  }
0x89: {  	s3 =	sld [smem:$0x3FFE];
	_ =	sdelay $0x1  }
0x8a: {  	s1 =	srdreg.scid  }
0x8b: {  	s0 =	sand.u32 $0x1, s1  }
0x8c: {  	s17 =	sshll.u32 s0, $0xA;
	s2 =	sadd.s32 s3, s2  }
0x8d: {  	s2 =	sadd.s32 s2, s17  }
0x8e: {  	[smem:$0x3FC5] =	sst s2  }
0x8f: {  	_ = 	snop  }
0x90: {  	s2 =	sld [smem:$0x3FC8]  }
0x91: {  	s18 =	sld [smem:$0x3FC7];
	(tm) =	ssettm $0x1  }
0x92: {  	s4 =	sld [smem:$0x3FFB];
	_ =	sdelay $0x3  }
0x93: {  	_ =	strace s4  }
0x94: {  	s4 =	sld [smem:$0x3FFC];
	_ =	sdelay $0x3  }
0x95: {  	_ =	strace s4  }
0x96: {  	s4 =	sld [smem:$0x3FFD];
	_ =	sdelay $0x3  }
0x97: {  	_ =	strace s4  }
0x98: {  	_ =	strace $0x8FFFFFFF  }
0x99: {  	s19 =	sld [smem:$0x3FDB];
	_ =	sdelay $0x1  }
0x9a: {  	s5 =	simm.s32 $_scs_section_size  }
0x9b: {  	s6 =	simm.s32 $_size__tile_overlayer_lowered;
	s7 =	simm.s32 $_tile_overlayer_lowered  }
0x9c: {  	s22 =	simm.s32 $0x1BFF;
	s21 =	sshll.u32 s7, $0x1;
	s4 =	sadd.s32 s5, s19  }
0x9d: {  	s8 =	simm.s32 $0x0;
	s20 =	sshll.u32 s6, $0x1;
	s6 =	sadd.s32 s21, s4  }
0x9e: {  	[timem:s8], [sflag:s22] =	dma.local [hbm:s6], s20  }
0x9f: {  	_ =	swait.ge [sflag:s22], s20  }
0xa0: {  	s5 =	ssub.s32 $0x0, s20;
	[sflag:s22] =	ssyncset.done $0x0  }
0xa1: {  	[sflag:s22] =	ssyncadd.s32 s5;
	_ =	sdelay $0x1  }
0xa2: {  	s23 =	simm.s32 $0x1B8B  }
0xa3: {  	_ =	swait.ge [sflag:s23], $0x1  }
0xa4: {  	[sflag:s23] =	ssyncset.done $0x0  }
0xa5: {  	s25 =	simm.s32 $0x1B8E;
	s24 =	sld [smem:$0x3FFE];
	[sflag:s23] =	ssyncadd.s32 $0xFFFFFFFF  }
0xa6: {  	s26 =	simm.s32 $execute0_lowered;
	[smem:$0x3FD2] =	sst s25  }
0xa7: {  	s6 =	sshll.u32 s26, $0x1;
	_ =	strace $0x80000046;
	[dreg:$0x1] =	wrdreg $0xFFFFFFFF  }
0xa8: {  	s28 =	simm.s32 $_size_execute0_lowered;
	s4 =	sadd.s32 s4, s6;
	[dreg:$0x0] =	wrdreg $0x0  }
0xa9: {  	s6 =	sshll.u32 s28, $0x1;
	[dreg:$0x2] =	wrdreg s4  }
0xaa: {  	[dreg:$0x3] =	wrdreg s6  }
0xab: {  	[dreg:$0x4] =	wrdreg $0xC0  }
0xac: {  	_ =	task [dreg:s8], $0x5FFFF  }
0xad: {  	[dreg:$0x1] =	wrdreg $0xFFFFFFFF  }
0xae: {  	[dreg:$0x0] =	wrdreg $0x60  }
0xaf: {  	[dreg:$0x2] =	wrdreg s24  }
0xb0: {  	[dreg:$0x3] =	wrdreg s2  }
0xb1: {  	[dreg:$0x4] =	wrdreg s18  }
0xb2: {  	[dreg:$0x5] =	wrdreg $0x9  }
0xb3: {  	_ =	task.clear_ibuf [dreg:s8], $0x6FFFF;
	_ =	strace $0x90000046  }
0xb4: {  	s29 =	simm.s32 $0x9;
	_ =	strace $0x80000048  }
0xb5: {  	_ =	swait.ge [sflag:s29], $0x1  }
0xb6: {  	[sflag:s29] =	ssyncadd.s32 $0xFFFFFFFF  }
0xb7: {  	_ =	strace $0x90000048  }
0xb8: {  	_ =	sfence  }
0xb9: {  	s30 =	sld [smem:$0x0];
	_ =	sdelay $0x2  }
0xba: {  	s31 =	sshll.u32 s1, $0xD;
	s1 =	sshrl.u32 s1, $0x2  }
0xbb: {  	s3 =	sand.u32 $0x4000, s31;
	s1 =	sadd.s32 s1, s30  }
0xbc: {  	s0 =	sor.u32 s3, s0;
	s1 =	sshll.u32 s1, $0x11  }
0xbd: {  	s0 =	sor.u32 s1, s0  }
0xbe: {  	s0 =	sadd.s32 $0x8F2B, s0  }
0xbf: {  	[sflag:s0] =	ssyncadd.remote.s32 $0x1  }
0xc0: {  	_ =	sfence.sel $0xFFFF  }
0xc1: {  	[dreg:$0x0] =	wrdreg $0xFFFFFFFF;
	(pc) =	sbr.abs _section_cstart, $3  }
0xc2: {  	[dreg:$0x1] =	wrdreg $0xFFFFFFFF  }
0xc3: {  	_ =	task.clear_ibuf [dreg:s8], $0x2FFFF;
	_ =	strace $0x9FFFFFFF  }
0xc4: {  	(tm) =	ssettm $0x7FFFFFFF  }
0xc5: {  	_ =	shalt  }
tec
execute0_lowered:
.L_overlay_start_1:
0x0: {  	(tag) =	ssettag $0x1  }
0x1: {  	s0 =	rddreg [dreg:$0x0];
	v0 =	vimm.s32 $0x76543210;
	v1 =	vimm.s32 $0xFEDCBA98  }
0x2: {  	s1 =	rddreg [dreg:$0x1];
	v2 =	vimm.s32 $0xBA98FEDC;
	v3 =	vimm.s32 $0x32107654;
	v4 =	vimm.s32 $0xDCFE98BA  }
0x3: {  	s3 =	rddreg [dreg:$0x2];
	v5 =	vimm.s32 $0x54761032;
	v6 =	vimm.s32 $0xEFCDAB89;
	v7 =	vimm.s32 $0x67452301  }
0x4: {  	s4 =	simm.s32 $0x0;
	s2 =	srdreg.scid;
	s6 =	stileid.u32;
	vm0 =	vmmov $0xffff;
	vm1 =	vmmov $0x1;
	vm2 =	vmmov $0x3  }
0x5: {  	s8 =	simm.s32 $0x5;
	s19 =	simm.s32 $0x5800;
	s20 =	simm.s32 $0x6000;
	vm3 =	vmmov $0x7;
	vm4 =	vmmov $0xf;
	vm5 =	vmmov $0x1f  }
0x6: {  	s21 =	simm.s32 $0x6800;
	s23 =	simm.s32 $0x7000;
	s28 =	simm.s32 $0xE800;
	vm6 =	vmmov $0x3f;
	vm7 =	vmmov $0x7f;
	vm8 =	vmmov $0xff  }
0x7: {  	s29 =	simm.s32 $0xF000;
	s30 =	simm.s32 $0x15800;
	s31 =	simm.s32 $0x16000;
	vm9 =	vmmov $0x1ff;
	vm10 =	vmmov $0x3ff;
	vm11 =	vmmov $0x7ff  }
0x8: {  	s22 =	simm.s32 $0x3;
	s17 =	simm.s32 $0x18800;
	s18 =	simm.s32 $0x19000;
	vm12 =	vmmov $0xfff;
	vm13 =	vmmov $0x1fff;
	vm14 =	vmmov $0x3fff  }
0x9: {  	vm15 =	vmmov $0x7fff;
	[smem:$0x7FF] =	sst s4;
	s2 =	sand.u32 $0x1, s2;
	s5 =	sshll.u32 s6, $0x1;
	v2 =	vunpack.c.l.s4.s8 v2;
	v3 =	vunpack.c.l.s4.s8 v3  }
0xa: {  	s6 =	sshll.u32 s6, $0x7;
	v0 =	vunpack.c.l.s4.s8 v0;
	v4 =	vunpack.c.l.s4.s8 v4;
	v5 =	vunpack.c.l.s4.s8 v5;
	_ =	strace $0x80000047;
	s5 =	sor.u32 s2, s5  }
0xb: {  	v6 =	vunpack.c.l.s4.s8 v6;
	s6 =	sand.u32 $0x600, s6;
	s2 =	ssub.s32 $0x2, s2;
	s7 =	smul.u32 $0x300, s5;
	v2 =	vunpack.c.0.s8.s32 v2;
	v3 =	vunpack.c.0.s8.s32 v3  }
0xc: {  	v7 =	vunpack.c.l.s4.s8 v7;
	v1 =	vunpack.c.l.s4.s8 v1;
	s5 =	sshll.u32 s5, $0x4;
	s6 =	sadd.s32 s6, s0;
	s24 =	sshrl.u32 s2, $0x1;
	v4 =	vunpack.c.0.s8.s32 v4  }
0xd: {  	v5 =	vunpack.c.0.s8.s32 v5;
	s5 =	sand.u32 $0x70, s5;
	s2 =	ssub.s32 s2, s24;
	s24 =	simm.s32 $0xD800;
	v8 =	vcombine.low v3, v2;
	v2 =	vunpack.c.0.s8.s32 v6  }
.Ltmp0:
0xe: {  	s0 =	sadd.s32 s7, s0;
	s5 =	sadd.s32 s5, s6;
	v3 =	vunpack.c.0.s8.s32 v7;
	v6 =	vlaneseq.u32;
	v7 =	vunpack.c.0.s8.s32 v1;
	(pc) =	sbr.rel .LBB2_1-.Ltmp0, $4  }
0xf: {  	s26 =	smax.u32 s2, $0x1;
	s2 =	simm.s32 $0x17000;
	s6 =	simm.s32 $0x2;
	v5 =	vcombine.low v5, v4;
	v4 =	vunpack.c.0.s8.s32 v0;
	v1 =	vshrl.u32 v6, $0x3  }
0x10: {  	s0 =	sadd.s32 $0x400, s0;
	s25 =	sadd.s32 $0x6400, s5;
	[dreg:$0x6] =	wrdreg s26;
	v0 =	vand.u32 $0x7, v6;
	v9 =	vcombine.low v3, v2;
	v1 =	vmul.u32 $0x8, v1  }
0x11: {  	s26 =	simm.s32 $0xE000;
	s5 =	simm.s32 $0x1;
	[dreg:$0x4] =	wrdreg s0;
	v3 =	vand.u32 $0xF, v7;
	v2 =	vor.u32 $0x8, v6;
	v5 =	vand.u32 $0xF, v5  }
0x12: {  	[dreg:$0x5] =	wrdreg s25;
	s0 =	simm.s32 $0x16800;
	s25 =	simm.s32 $0x0;
	v3 =	vcombine.low v3, v4;
	v4 =	vand.u32 $0xF, v8;
	v6 =	vand.u32 $0xF, v9  }
.LBB2_21:
0x13: {  	s7 =	rddreg [dreg:$0x5]  }
0x14: {  	s8 =	simm.s32 $0x80;
	s9 =	simm.s32 $0x400;
	s10 =	simm.s32 $0x19800  }
0x15: {  	[hbm4b:s7+s8] =	stream.strided.scatter [tilespmem:s10], [sflag:$0x5], $0x200, s9, s8, $0x38;
	[tilespmem:$0x19C00] =	vst v63  }
0x16: {  	s8 =	simm.s32 $0x5  }
0x17: {  	_ =	swait.ge [sflag:s8], $0x200  }
0x18: {  	s25 =	sadd.s32 $0x1, s25;
	s16 =	rddreg [dreg:$0x6]  }
0x19: {  	p0 =	sne.s32 s25, s16  }
.Ltmp1:
0x1a: {  	_ = 	snop;
	(pc) =	sbr.rel @!p0 .LBB2_22-.Ltmp1, $3  }
0x1b: {  	_ =	sdelay $0x1  }
0x1c: {  	[sflag:s8] =	ssyncset.done $0x0  }
0x1d: {  	[sflag:s8] =	ssyncadd.s32 $0xFFFFFE00  }
.LBB2_1:
0x1e: {  	s7 =	rddreg [dreg:$0x4]  }
0x1f: {  	[tilespmem:s4], [sflag:$0x5] =	stream.linear.gather [hbm4b:s7+s4], $0x1800, $0x38;
	[tilespmem:$0x19C00] =	vst v63  }
0x20: {  	_ =	swait.ge [sflag:s8], $0x1800  }
0x21: {  	[sflag:s8] =	ssyncset.done $0x0  }
0x22: {  	[sflag:s8] =	ssyncadd.s32 $0xFFFFE800  }
0x23: {  	v7 =	vld [tilespmem:$0x0];
	_ =	sdelay $0x4  }
0x24: {  	v8 =	vshll.u32 v7, $0x1  }
0x25: {  	v7 =	vand.u32 $0x7, v7;
	v8 =	vand.u32 $0xFFFFFFF0, v8  }
0x26: {  	v7 =	vor.u32 v7, v8  }
0x27: {  	v8 =	vperm.xlane v7, v0;
	_ =	sdelay $0x1  }
0x28: {  	v7 =	vperm.xlane v7, v2;
	v8 =	vadd.s32 v1, v8;
	_ =	sdelay $0x1  }
0x29: {  	v7 =	vadd.s32 v1, v7;
	_ =	sdelay $0x1  }
0x2a: {  	s11 =	simm.s32 $0x1800  }
0x2b: {  	[tilespmem:s11], [sflag:$0x1] =	stream.indirect_vreg.gather [hbm4b:s1+s4], $0x80, v8, vm0, $0xb8;
	[tilespmem:$0x19C00] =	vst v63  }
0x2c: {  	s12 =	simm.s32 $0x2000  }
0x2d: {  	[tilespmem:s12], [sflag:$0x1] =	stream.indirect_vreg.gather [hbm4b:s1+s4], $0x80, v7, vm0, $0xb8;
	[tilespmem:$0x19C00] =	vst v63  }
0x2e: {  	v7 =	vld [tilespmem:$0x10];
	_ =	sdelay $0x4  }
0x2f: {  	v8 =	vshll.u32 v7, $0x1  }
0x30: {  	v7 =	vand.u32 $0x7, v7;
	v8 =	vand.u32 $0xFFFFFFF0, v8  }
0x31: {  	v7 =	vor.u32 v7, v8  }
0x32: {  	v8 =	vperm.xlane v7, v0;
	_ =	sdelay $0x1  }
0x33: {  	v7 =	vperm.xlane v7, v2;
	v8 =	vadd.s32 v1, v8;
	_ =	sdelay $0x1  }
0x34: {  	v7 =	vadd.s32 v1, v7;
	_ =	sdelay $0x1  }
0x35: {  	s13 =	simm.s32 $0x2800  }
0x36: {  	[tilespmem:s13], [sflag:$0x1] =	stream.indirect_vreg.gather [hbm4b:s1+s4], $0x80, v8, vm0, $0xb8;
	[tilespmem:$0x19C00] =	vst v63  }
0x37: {  	s14 =	simm.s32 $0x3000  }
0x38: {  	[tilespmem:s14], [sflag:$0x1] =	stream.indirect_vreg.gather [hbm4b:s1+s4], $0x80, v7, vm0, $0xb8;
	[tilespmem:$0x19C00] =	vst v63  }
0x39: {  	v7 =	vld [tilespmem:$0x800];
	_ =	sdelay $0x4  }
0x3a: {  	v8 =	vshll.u32 v7, $0x1  }
0x3b: {  	v7 =	vand.u32 $0x7, v7;
	v8 =	vand.u32 $0xFFFFFFF0, v8  }
0x3c: {  	v7 =	vor.u32 v7, v8  }
0x3d: {  	v8 =	vperm.xlane v7, v0;
	_ =	sdelay $0x1  }
0x3e: {  	v7 =	vperm.xlane v7, v2;
	v8 =	vadd.s32 v1, v8;
	_ =	sdelay $0x1  }
0x3f: {  	v7 =	vadd.s32 v1, v7;
	_ =	sdelay $0x1  }
0x40: {  	s15 =	simm.s32 $0x9800  }
0x41: {  	[tilespmem:s15], [sflag:$0x1] =	stream.indirect_vreg.gather [hbm4b:s3+s4], $0x80, v8, vm0, $0xb8;
	[tilespmem:$0x19C00] =	vst v63  }
0x42: {  	s16 =	simm.s32 $0xA000  }
0x43: {  	[tilespmem:s16], [sflag:$0x1] =	stream.indirect_vreg.gather [hbm4b:s3+s4], $0x80, v7, vm0, $0xb8;
	[tilespmem:$0x19C00] =	vst v63  }
0x44: {  	v7 =	vld [tilespmem:$0x810];
	_ =	sdelay $0x4  }
0x45: {  	v8 =	vshll.u32 v7, $0x1  }
0x46: {  	v7 =	vand.u32 $0x7, v7;
	v8 =	vand.u32 $0xFFFFFFF0, v8  }
0x47: {  	v7 =	vor.u32 v7, v8  }
0x48: {  	v8 =	vperm.xlane v7, v0;
	_ =	sdelay $0x1  }
0x49: {  	v7 =	vperm.xlane v7, v2;
	v8 =	vadd.s32 v1, v8;
	_ =	sdelay $0x1  }
0x4a: {  	v7 =	vadd.s32 v1, v7;
	_ =	sdelay $0x1  }
0x4b: {  	s8 =	simm.s32 $0xA800  }
0x4c: {  	[tilespmem:s8], [sflag:$0x1] =	stream.indirect_vreg.gather [hbm4b:s3+s4], $0x80, v8, vm0, $0xb8;
	[tilespmem:$0x19C00] =	vst v63  }
0x4d: {  	s9 =	simm.s32 $0xB000  }
0x4e: {  	[tilespmem:s9], [sflag:$0x1] =	stream.indirect_vreg.gather [hbm4b:s3+s4], $0x80, v7, vm0, $0xb8;
	[tilespmem:$0x19C00] =	vst v63  }
0x4f: {  	v7 =	vld [tilespmem:$0x1000];
	_ =	sdelay $0x4  }
0x50: {  	v8 =	vshll.u32 v7, $0x1  }
0x51: {  	v7 =	vand.u32 $0x7, v7;
	v8 =	vand.u32 $0xFFFFFFF0, v8  }
0x52: {  	v7 =	vor.u32 v7, v8  }
0x53: {  	v8 =	vperm.xlane v7, v0;
	_ =	sdelay $0x1  }
0x54: {  	v7 =	vperm.xlane v7, v2;
	v8 =	vadd.s32 v1, v8;
	_ =	sdelay $0x1  }
0x55: {  	v7 =	vadd.s32 v1, v7;
	_ =	sdelay $0x1  }
0x56: {  	s10 =	simm.s32 $0x11800  }
0x57: {  	[tilespmem:s10], [sflag:$0x1] =	stream.indirect_vreg.gather [hbm4b:s1+s4], $0x80, v8, vm0, $0xb8;
	[tilespmem:$0x19C00] =	vst v63  }
0x58: {  	s11 =	simm.s32 $0x12000  }
0x59: {  	[tilespmem:s11], [sflag:$0x1] =	stream.indirect_vreg.gather [hbm4b:s1+s4], $0x80, v7, vm0, $0xb8;
	[tilespmem:$0x19C00] =	vst v63  }
0x5a: {  	v7 =	vld [tilespmem:$0x1010];
	_ =	sdelay $0x4  }
0x5b: {  	v8 =	vshll.u32 v7, $0x1  }
0x5c: {  	v7 =	vand.u32 $0x7, v7;
	v8 =	vand.u32 $0xFFFFFFF0, v8  }
0x5d: {  	v7 =	vor.u32 v7, v8  }
0x5e: {  	v8 =	vperm.xlane v7, v0;
	_ =	sdelay $0x1  }
0x5f: {  	v7 =	vperm.xlane v7, v2;
	v8 =	vadd.s32 v1, v8;
	_ =	sdelay $0x1  }
0x60: {  	v7 =	vadd.s32 v1, v7;
	_ =	sdelay $0x1  }
0x61: {  	s12 =	simm.s32 $0x12800  }
0x62: {  	[tilespmem:s12], [sflag:$0x1] =	stream.indirect_vreg.gather [hbm4b:s1+s4], $0x80, v8, vm0, $0xb8;
	[tilespmem:$0x19C00] =	vst v63  }
0x63: {  	s13 =	simm.s32 $0x13000  }
0x64: {  	[tilespmem:s13], [sflag:$0x1] =	stream.indirect_vreg.gather [hbm4b:s1+s4], $0x80, v7, vm0, $0xb8;
	[tilespmem:$0x19C00] =	vst v63  }
0x65: {  	v7 =	vld [tilespmem:$0x80];
	_ =	sdelay $0x4  }
0x66: {  	v8 =	vshll.u32 v7, $0x1  }
0x67: {  	v7 =	vand.u32 $0x7, v7;
	v8 =	vand.u32 $0xFFFFFFF0, v8  }
0x68: {  	v7 =	vor.u32 v7, v8  }
0x69: {  	v8 =	vperm.xlane v7, v0;
	_ =	sdelay $0x1  }
0x6a: {  	v7 =	vperm.xlane v7, v2;
	v8 =	vadd.s32 v1, v8;
	_ =	sdelay $0x1  }
0x6b: {  	v7 =	vadd.s32 v1, v7;
	_ =	sdelay $0x1  }
0x6c: {  	s14 =	simm.s32 $0x3800  }
0x6d: {  	[tilespmem:s14], [sflag:$0x2] =	stream.indirect_vreg.gather [hbm4b:s1+s4], $0x80, v8, vm0, $0xb8;
	[tilespmem:$0x19C00] =	vst v63  }
0x6e: {  	s15 =	simm.s32 $0x4000  }
0x6f: {  	[tilespmem:s15], [sflag:$0x2] =	stream.indirect_vreg.gather [hbm4b:s1+s4], $0x80, v7, vm0, $0xb8;
	[tilespmem:$0x19C00] =	vst v63  }
0x70: {  	v7 =	vld [tilespmem:$0x90];
	_ =	sdelay $0x4  }
0x71: {  	v8 =	vshll.u32 v7, $0x1  }
0x72: {  	v7 =	vand.u32 $0x7, v7;
	v8 =	vand.u32 $0xFFFFFFF0, v8  }
0x73: {  	v7 =	vor.u32 v7, v8  }
0x74: {  	v8 =	vperm.xlane v7, v0;
	_ =	sdelay $0x1  }
0x75: {  	v7 =	vperm.xlane v7, v2;
	v8 =	vadd.s32 v1, v8;
	_ =	sdelay $0x1  }
0x76: {  	v7 =	vadd.s32 v1, v7;
	_ =	sdelay $0x1  }
0x77: {  	s16 =	simm.s32 $0x4800  }
0x78: {  	[tilespmem:s16], [sflag:$0x2] =	stream.indirect_vreg.gather [hbm4b:s1+s4], $0x80, v8, vm0, $0xb8;
	[tilespmem:$0x19C00] =	vst v63  }
0x79: {  	s8 =	simm.s32 $0x5000  }
0x7a: {  	[tilespmem:s8], [sflag:$0x2] =	stream.indirect_vreg.gather [hbm4b:s1+s4], $0x80, v7, vm0, $0xb8;
	[tilespmem:$0x19C00] =	vst v63  }
0x7b: {  	v7 =	vld [tilespmem:$0x880];
	_ =	sdelay $0x4  }
0x7c: {  	v8 =	vshll.u32 v7, $0x1  }
0x7d: {  	v7 =	vand.u32 $0x7, v7;
	v8 =	vand.u32 $0xFFFFFFF0, v8  }
0x7e: {  	v7 =	vor.u32 v7, v8  }
0x7f: {  	v8 =	vperm.xlane v7, v0;
	_ =	sdelay $0x1  }
0x80: {  	v7 =	vperm.xlane v7, v2;
	v8 =	vadd.s32 v1, v8;
	_ =	sdelay $0x1  }
0x81: {  	v7 =	vadd.s32 v1, v7;
	_ =	sdelay $0x1  }
0x82: {  	s9 =	simm.s32 $0xB800  }
0x83: {  	[tilespmem:s9], [sflag:$0x2] =	stream.indirect_vreg.gather [hbm4b:s3+s4], $0x80, v8, vm0, $0xb8;
	[tilespmem:$0x19C00] =	vst v63  }
0x84: {  	s10 =	simm.s32 $0xC000  }
0x85: {  	[tilespmem:s10], [sflag:$0x2] =	stream.indirect_vreg.gather [hbm4b:s3+s4], $0x80, v7, vm0, $0xb8;
	[tilespmem:$0x19C00] =	vst v63  }
0x86: {  	v7 =	vld [tilespmem:$0x890];
	_ =	sdelay $0x4  }
0x87: {  	v8 =	vshll.u32 v7, $0x1  }
0x88: {  	v7 =	vand.u32 $0x7, v7;
	v8 =	vand.u32 $0xFFFFFFF0, v8  }
0x89: {  	v7 =	vor.u32 v7, v8  }
0x8a: {  	v8 =	vperm.xlane v7, v0;
	_ =	sdelay $0x1  }
0x8b: {  	v7 =	vperm.xlane v7, v2;
	v8 =	vadd.s32 v1, v8;
	_ =	sdelay $0x1  }
0x8c: {  	v7 =	vadd.s32 v1, v7;
	_ =	sdelay $0x1  }
0x8d: {  	s11 =	simm.s32 $0xC800  }
0x8e: {  	[tilespmem:s11], [sflag:$0x2] =	stream.indirect_vreg.gather [hbm4b:s3+s4], $0x80, v8, vm0, $0xb8;
	[tilespmem:$0x19C00] =	vst v63  }
0x8f: {  	s12 =	simm.s32 $0xD000  }
0x90: {  	[tilespmem:s12], [sflag:$0x2] =	stream.indirect_vreg.gather [hbm4b:s3+s4], $0x80, v7, vm0, $0xb8;
	[tilespmem:$0x19C00] =	vst v63  }
0x91: {  	v7 =	vld [tilespmem:$0x1080];
	_ =	sdelay $0x4  }
0x92: {  	v8 =	vshll.u32 v7, $0x1  }
0x93: {  	v7 =	vand.u32 $0x7, v7;
	v8 =	vand.u32 $0xFFFFFFF0, v8  }
0x94: {  	v7 =	vor.u32 v7, v8  }
0x95: {  	v8 =	vperm.xlane v7, v0;
	_ =	sdelay $0x1  }
0x96: {  	v7 =	vperm.xlane v7, v2;
	v8 =	vadd.s32 v1, v8;
	_ =	sdelay $0x1  }
0x97: {  	v7 =	vadd.s32 v1, v7;
	_ =	sdelay $0x1  }
0x98: {  	s13 =	simm.s32 $0x13800  }
0x99: {  	[tilespmem:s13], [sflag:$0x2] =	stream.indirect_vreg.gather [hbm4b:s1+s4], $0x80, v8, vm0, $0xb8;
	[tilespmem:$0x19C00] =	vst v63  }
0x9a: {  	s14 =	simm.s32 $0x14000  }
0x9b: {  	[tilespmem:s14], [sflag:$0x2] =	stream.indirect_vreg.gather [hbm4b:s1+s4], $0x80, v7, vm0, $0xb8;
	[tilespmem:$0x19C00] =	vst v63  }
0x9c: {  	v7 =	vld [tilespmem:$0x1090];
	_ =	sdelay $0x4  }
0x9d: {  	v8 =	vshll.u32 v7, $0x1  }
0x9e: {  	v7 =	vand.u32 $0x7, v7;
	v8 =	vand.u32 $0xFFFFFFF0, v8  }
0x9f: {  	v7 =	vor.u32 v7, v8  }
0xa0: {  	v8 =	vperm.xlane v7, v0;
	_ =	sdelay $0x1  }
0xa1: {  	v7 =	vperm.xlane v7, v2;
	v8 =	vadd.s32 v1, v8;
	_ =	sdelay $0x1  }
0xa2: {  	v7 =	vadd.s32 v1, v7;
	_ =	sdelay $0x1  }
0xa3: {  	s15 =	simm.s32 $0x14800  }
0xa4: {  	[tilespmem:s15], [sflag:$0x2] =	stream.indirect_vreg.gather [hbm4b:s1+s4], $0x80, v8, vm0, $0xb8;
	[tilespmem:$0x19C00] =	vst v63  }
0xa5: {  	s16 =	simm.s32 $0x15000;
	s8 =	simm.s32 $0x0;
	s13 =	simm.s32 $0x0  }
0xa6: {  	[tilespmem:s16], [sflag:$0x2] =	stream.indirect_vreg.gather [hbm4b:s1+s4], $0x80, v7, vm0, $0xb8;
	[tilespmem:$0x19C00] =	vst v63  }
.LBB2_2:
0xa7: {  	s7 =	sand.u32 $0x3, s8;
	p0 =	sgt.u32 s8, $0xD  }
0xa8: {  	p1 =	sne.s32 @!p0 s7, $0x0  }
0xa9: {  	p1 =	por p0, p1  }
.Ltmp2:
0xaa: {  	_ = 	snop;
	(pc) =	sbr.rel @p1 .LBB2_4-.Ltmp2, $2  }
0xab: {  	_ =	sdelay $0x2  }
0xac: {  	s9 =	sadd.s32 $0x2, s8  }
0xad: {  	s7 =	sshll.u32 s9, $0x7  }
0xae: {  	s7 =	sand.u32 $0x3FFFFF80, s7  }
0xaf: {  	v7 =	vld [tilespmem:s7+$0x0];
	_ =	sdelay $0x4  }
0xb0: {  	v8 =	vshll.u32 v7, $0x1  }
0xb1: {  	v7 =	vand.u32 $0x7, v7;
	v8 =	vand.u32 $0xFFFFFFF0, v8  }
0xb2: {  	v7 =	vor.u32 v7, v8  }
0xb3: {  	v8 =	vperm.xlane v7, v0;
	_ =	sdelay $0x1  }
0xb4: {  	v7 =	vperm.xlane v7, v2;
	v8 =	vadd.s32 v1, v8;
	_ =	sdelay $0x1  }
0xb5: {  	v7 =	vadd.s32 v1, v7;
	_ =	sdelay $0x2  }
0xb6: {  	[tilespmem:s19], [sflag:$0x3] =	stream.indirect_vreg.gather [hbm4b:s1+s4], $0x80, v8, vm0, $0xb8;
	[tilespmem:$0x19C00] =	vst v63  }
0xb7: {  	_ = 	snop  }
0xb8: {  	[tilespmem:s20], [sflag:$0x3] =	stream.indirect_vreg.gather [hbm4b:s1+s4], $0x80, v7, vm0, $0xb8;
	[tilespmem:$0x19C00] =	vst v63  }
0xb9: {  	v7 =	vld [tilespmem:s7+$0x10];
	_ =	sdelay $0x4  }
0xba: {  	v8 =	vshll.u32 v7, $0x1  }
0xbb: {  	v7 =	vand.u32 $0x7, v7;
	v8 =	vand.u32 $0xFFFFFFF0, v8  }
0xbc: {  	v7 =	vor.u32 v7, v8  }
0xbd: {  	v8 =	vperm.xlane v7, v0;
	_ =	sdelay $0x1  }
0xbe: {  	v7 =	vperm.xlane v7, v2;
	v8 =	vadd.s32 v1, v8;
	_ =	sdelay $0x1  }
0xbf: {  	v7 =	vadd.s32 v1, v7;
	_ =	sdelay $0x2  }
0xc0: {  	[tilespmem:s21], [sflag:$0x3] =	stream.indirect_vreg.gather [hbm4b:s1+s4], $0x80, v8, vm0, $0xb8;
	[tilespmem:$0x19C00] =	vst v63  }
0xc1: {  	_ = 	snop  }
0xc2: {  	[tilespmem:s23], [sflag:$0x3] =	stream.indirect_vreg.gather [hbm4b:s1+s4], $0x80, v7, vm0, $0xb8;
	[tilespmem:$0x19C00] =	vst v63  }
0xc3: {  	v7 =	vld [tilespmem:s7+$0x800];
	_ =	sdelay $0x4  }
0xc4: {  	v8 =	vshll.u32 v7, $0x1  }
0xc5: {  	v7 =	vand.u32 $0x7, v7;
	v8 =	vand.u32 $0xFFFFFFF0, v8  }
0xc6: {  	v7 =	vor.u32 v7, v8  }
0xc7: {  	v8 =	vperm.xlane v7, v0;
	_ =	sdelay $0x1  }
0xc8: {  	v7 =	vperm.xlane v7, v2;
	v8 =	vadd.s32 v1, v8;
	_ =	sdelay $0x1  }
0xc9: {  	v7 =	vadd.s32 v1, v7;
	_ =	sdelay $0x2  }
0xca: {  	[tilespmem:s24], [sflag:$0x3] =	stream.indirect_vreg.gather [hbm4b:s3+s4], $0x80, v8, vm0, $0xb8;
	[tilespmem:$0x19C00] =	vst v63  }
0xcb: {  	_ = 	snop  }
0xcc: {  	[tilespmem:s26], [sflag:$0x3] =	stream.indirect_vreg.gather [hbm4b:s3+s4], $0x80, v7, vm0, $0xb8;
	[tilespmem:$0x19C00] =	vst v63  }
0xcd: {  	v7 =	vld [tilespmem:s7+$0x810];
	_ =	sdelay $0x4  }
0xce: {  	v8 =	vshll.u32 v7, $0x1  }
0xcf: {  	v7 =	vand.u32 $0x7, v7;
	v8 =	vand.u32 $0xFFFFFFF0, v8  }
0xd0: {  	v7 =	vor.u32 v7, v8  }
0xd1: {  	v8 =	vperm.xlane v7, v0;
	_ =	sdelay $0x1  }
0xd2: {  	v7 =	vperm.xlane v7, v2;
	v8 =	vadd.s32 v1, v8;
	_ =	sdelay $0x1  }
0xd3: {  	v7 =	vadd.s32 v1, v7;
	_ =	sdelay $0x2  }
0xd4: {  	[tilespmem:s28], [sflag:$0x3] =	stream.indirect_vreg.gather [hbm4b:s3+s4], $0x80, v8, vm0, $0xb8;
	[tilespmem:$0x19C00] =	vst v63  }
0xd5: {  	_ = 	snop  }
0xd6: {  	[tilespmem:s29], [sflag:$0x3] =	stream.indirect_vreg.gather [hbm4b:s3+s4], $0x80, v7, vm0, $0xb8;
	[tilespmem:$0x19C00] =	vst v63  }
0xd7: {  	v7 =	vld [tilespmem:s7+$0x1000];
	_ =	sdelay $0x4  }
0xd8: {  	v8 =	vshll.u32 v7, $0x1  }
0xd9: {  	v7 =	vand.u32 $0x7, v7;
	v8 =	vand.u32 $0xFFFFFFF0, v8  }
0xda: {  	v7 =	vor.u32 v7, v8  }
0xdb: {  	v8 =	vperm.xlane v7, v0;
	_ =	sdelay $0x1  }
0xdc: {  	v7 =	vperm.xlane v7, v2;
	v8 =	vadd.s32 v1, v8;
	_ =	sdelay $0x1  }
0xdd: {  	v7 =	vadd.s32 v1, v7;
	_ =	sdelay $0x2  }
0xde: {  	[tilespmem:s30], [sflag:$0x3] =	stream.indirect_vreg.gather [hbm4b:s1+s4], $0x80, v8, vm0, $0xb8;
	[tilespmem:$0x19C00] =	vst v63  }
0xdf: {  	_ = 	snop  }
0xe0: {  	[tilespmem:s31], [sflag:$0x3] =	stream.indirect_vreg.gather [hbm4b:s1+s4], $0x80, v7, vm0, $0xb8;
	[tilespmem:$0x19C00] =	vst v63  }
0xe1: {  	v7 =	vld [tilespmem:s7+$0x1010];
	_ =	sdelay $0x4  }
0xe2: {  	v8 =	vshll.u32 v7, $0x1  }
0xe3: {  	v7 =	vand.u32 $0x7, v7;
	v8 =	vand.u32 $0xFFFFFFF0, v8  }
0xe4: {  	v7 =	vor.u32 v7, v8  }
0xe5: {  	v8 =	vperm.xlane v7, v0;
	_ =	sdelay $0x1  }
0xe6: {  	v7 =	vperm.xlane v7, v2;
	v8 =	vadd.s32 v1, v8;
	_ =	sdelay $0x1  }
0xe7: {  	v7 =	vadd.s32 v1, v7;
	_ =	sdelay $0x2  }
0xe8: {  	[tilespmem:s0], [sflag:$0x3] =	stream.indirect_vreg.gather [hbm4b:s1+s4], $0x80, v8, vm0, $0xb8;
	[tilespmem:$0x19C00] =	vst v63  }
0xe9: {  	p1 =	por $0x0, $0x0;
	p2 =	por $0x0, $0x0;
	p0 =	por $0x0, $0x0  }
0xea: {  	[tilespmem:s2], [sflag:$0x3] =	stream.indirect_vreg.gather [hbm4b:s1+s4], $0x80, v7, vm0, $0xb8;
	[tilespmem:$0x19C00] =	vst v63  }
.LBB2_12:
0xeb: {  	_ =	swait.ge [sflag:s5], $0x2000  }
0xec: {  	[sflag:s5] =	ssyncset.done $0x0  }
0xed: {  	[sflag:s5] =	ssyncadd.s32 $0xFFFFE000  }
0xee: {  	_ =	swait.ge [sflag:s5], $0x2000  }
.Ltmp3:
0xef: {  	[sflag:s5] =	ssyncset.done $0x0;
	(pc) =	sbr.rel @p2 .LBB2_13-.Ltmp3, $4  }
0xf0: {  	[sflag:s5] =	ssyncadd.s32 $0xFFFFE000  }
0xf1: {  	_ =	swait.ge [sflag:s5], $0x2000  }
0xf2: {  	[sflag:s5] =	ssyncset.done $0x0  }
0xf3: {  	[sflag:s5] =	ssyncadd.s32 $0xFFFFE000  }
.LBB2_15:
.Ltmp4:
0xf4: {  	(pc) =	sbr.rel @p1 .LBB2_16-.Ltmp4, $1  }
0xf5: {  	_ =	sdelay $0x3  }
.LBB2_14:
.Ltmp5:
0xf6: {  	(pc) =	sbr.rel @!p0 .LBB2_18-.Ltmp5, $4  }
.Ltmp6:
0xf7: {  	(pc) =	sbr.rel @p0 .LBB2_17-.Ltmp6, $4  }
0xf8: {  	_ = 	snop  }
0xf9: {  	_ = 	snop  }
0xfa: {  	s7 =	simm.s32 $0x4  }
0xfb: {  	_ = 	snop  }
.LBB2_4:
0xfc: {  	p1 =	sne.s32 @!p0 s7, $0x1  }
0xfd: {  	p1 =	por p0, p1  }
.Ltmp7:
0xfe: {  	_ = 	snop;
	(pc) =	sbr.rel @p1 .LBB2_6-.Ltmp7, $1  }
0xff: {  	_ =	sdelay $0x3  }
0x100: {  	s7 =	sshll.u32 s9, $0x7  }
0x101: {  	s7 =	sand.u32 $0x3FFFFF80, s7  }
0x102: {  	v7 =	vld [tilespmem:s7+$0x0];
	_ =	sdelay $0x4  }
0x103: {  	v8 =	vshll.u32 v7, $0x1  }
0x104: {  	v7 =	vand.u32 $0x7, v7;
	v8 =	vand.u32 $0xFFFFFFF0, v8  }
0x105: {  	v7 =	vor.u32 v7, v8  }
0x106: {  	v8 =	vperm.xlane v7, v0;
	_ =	sdelay $0x1  }
0x107: {  	v7 =	vperm.xlane v7, v2;
	v8 =	vadd.s32 v1, v8;
	_ =	sdelay $0x1  }
0x108: {  	v7 =	vadd.s32 v1, v7;
	_ =	sdelay $0x1  }
0x109: {  	s12 =	simm.s32 $0x7800  }
0x10a: {  	[tilespmem:s12], [sflag:$0x4] =	stream.indirect_vreg.gather [hbm4b:s1+s4], $0x80, v8, vm0, $0xb8;
	[tilespmem:$0x19C00] =	vst v63  }
0x10b: {  	s14 =	simm.s32 $0x8000  }
0x10c: {  	[tilespmem:s14], [sflag:$0x4] =	stream.indirect_vreg.gather [hbm4b:s1+s4], $0x80, v7, vm0, $0xb8;
	[tilespmem:$0x19C00] =	vst v63  }
0x10d: {  	v7 =	vld [tilespmem:s7+$0x10];
	_ =	sdelay $0x4  }
0x10e: {  	v8 =	vshll.u32 v7, $0x1  }
0x10f: {  	v7 =	vand.u32 $0x7, v7;
	v8 =	vand.u32 $0xFFFFFFF0, v8  }
0x110: {  	v7 =	vor.u32 v7, v8  }
0x111: {  	v8 =	vperm.xlane v7, v0;
	_ =	sdelay $0x1  }
0x112: {  	v7 =	vperm.xlane v7, v2;
	v8 =	vadd.s32 v1, v8;
	_ =	sdelay $0x1  }
0x113: {  	v7 =	vadd.s32 v1, v7;
	_ =	sdelay $0x1  }
0x114: {  	s15 =	simm.s32 $0x8800  }
0x115: {  	[tilespmem:s15], [sflag:$0x4] =	stream.indirect_vreg.gather [hbm4b:s1+s4], $0x80, v8, vm0, $0xb8;
	[tilespmem:$0x19C00] =	vst v63  }
0x116: {  	s16 =	simm.s32 $0x9000  }
0x117: {  	[tilespmem:s16], [sflag:$0x4] =	stream.indirect_vreg.gather [hbm4b:s1+s4], $0x80, v7, vm0, $0xb8;
	[tilespmem:$0x19C00] =	vst v63  }
0x118: {  	v7 =	vld [tilespmem:s7+$0x800];
	_ =	sdelay $0x4  }
0x119: {  	v8 =	vshll.u32 v7, $0x1  }
0x11a: {  	v7 =	vand.u32 $0x7, v7;
	v8 =	vand.u32 $0xFFFFFFF0, v8  }
0x11b: {  	v7 =	vor.u32 v7, v8  }
0x11c: {  	v8 =	vperm.xlane v7, v0;
	_ =	sdelay $0x1  }
0x11d: {  	v7 =	vperm.xlane v7, v2;
	v8 =	vadd.s32 v1, v8;
	_ =	sdelay $0x1  }
0x11e: {  	v7 =	vadd.s32 v1, v7;
	_ =	sdelay $0x1  }
0x11f: {  	s10 =	simm.s32 $0xF800  }
0x120: {  	[tilespmem:s10], [sflag:$0x4] =	stream.indirect_vreg.gather [hbm4b:s3+s4], $0x80, v8, vm0, $0xb8;
	[tilespmem:$0x19C00] =	vst v63  }
0x121: {  	s11 =	simm.s32 $0x10000  }
0x122: {  	[tilespmem:s11], [sflag:$0x4] =	stream.indirect_vreg.gather [hbm4b:s3+s4], $0x80, v7, vm0, $0xb8;
	[tilespmem:$0x19C00] =	vst v63  }
0x123: {  	v7 =	vld [tilespmem:s7+$0x810];
	_ =	sdelay $0x4  }
0x124: {  	v8 =	vshll.u32 v7, $0x1  }
0x125: {  	v7 =	vand.u32 $0x7, v7;
	v8 =	vand.u32 $0xFFFFFFF0, v8  }
0x126: {  	v7 =	vor.u32 v7, v8  }
0x127: {  	v8 =	vperm.xlane v7, v0;
	_ =	sdelay $0x1  }
0x128: {  	v7 =	vperm.xlane v7, v2;
	v8 =	vadd.s32 v1, v8;
	_ =	sdelay $0x1  }
0x129: {  	v7 =	vadd.s32 v1, v7;
	_ =	sdelay $0x1  }
0x12a: {  	s12 =	simm.s32 $0x10800  }
0x12b: {  	[tilespmem:s12], [sflag:$0x4] =	stream.indirect_vreg.gather [hbm4b:s3+s4], $0x80, v8, vm0, $0xb8;
	[tilespmem:$0x19C00] =	vst v63  }
0x12c: {  	s14 =	simm.s32 $0x11000  }
0x12d: {  	[tilespmem:s14], [sflag:$0x4] =	stream.indirect_vreg.gather [hbm4b:s3+s4], $0x80, v7, vm0, $0xb8;
	[tilespmem:$0x19C00] =	vst v63  }
0x12e: {  	v7 =	vld [tilespmem:s7+$0x1000];
	_ =	sdelay $0x4  }
0x12f: {  	v8 =	vshll.u32 v7, $0x1  }
0x130: {  	v7 =	vand.u32 $0x7, v7;
	v8 =	vand.u32 $0xFFFFFFF0, v8  }
0x131: {  	v7 =	vor.u32 v7, v8  }
0x132: {  	v8 =	vperm.xlane v7, v0;
	_ =	sdelay $0x1  }
0x133: {  	v7 =	vperm.xlane v7, v2;
	v8 =	vadd.s32 v1, v8;
	_ =	sdelay $0x1  }
0x134: {  	v7 =	vadd.s32 v1, v7;
	_ =	sdelay $0x1  }
0x135: {  	s15 =	simm.s32 $0x17800  }
0x136: {  	[tilespmem:s15], [sflag:$0x4] =	stream.indirect_vreg.gather [hbm4b:s1+s4], $0x80, v8, vm0, $0xb8;
	[tilespmem:$0x19C00] =	vst v63  }
0x137: {  	s16 =	simm.s32 $0x18000  }
0x138: {  	[tilespmem:s16], [sflag:$0x4] =	stream.indirect_vreg.gather [hbm4b:s1+s4], $0x80, v7, vm0, $0xb8;
	[tilespmem:$0x19C00] =	vst v63  }
0x139: {  	v7 =	vld [tilespmem:s7+$0x1010];
	_ =	sdelay $0x4  }
0x13a: {  	v8 =	vshll.u32 v7, $0x1  }
0x13b: {  	v7 =	vand.u32 $0x7, v7;
	v8 =	vand.u32 $0xFFFFFFF0, v8  }
0x13c: {  	v7 =	vor.u32 v7, v8  }
0x13d: {  	v8 =	vperm.xlane v7, v0;
	_ =	sdelay $0x1  }
0x13e: {  	v7 =	vperm.xlane v7, v2;
	v8 =	vadd.s32 v1, v8;
	_ =	sdelay $0x1  }
0x13f: {  	v7 =	vadd.s32 v1, v7;
	_ =	sdelay $0x2  }
0x140: {  	[tilespmem:s17], [sflag:$0x4] =	stream.indirect_vreg.gather [hbm4b:s1+s4], $0x80, v8, vm0, $0xb8;
	[tilespmem:$0x19C00] =	vst v63  }
0x141: {  	p1 =	por $0x0, $0x0;
	p0 =	por $0x0, $0x0  }
0x142: {  	[tilespmem:s18], [sflag:$0x4] =	stream.indirect_vreg.gather [hbm4b:s1+s4], $0x80, v7, vm0, $0xb8;
	[tilespmem:$0x19C00] =	vst v63  }
.LBB2_13:
0x143: {  	_ =	swait.ge [sflag:s6], $0x2000  }
0x144: {  	[sflag:s6] =	ssyncset.done $0x0  }
0x145: {  	[sflag:s6] =	ssyncadd.s32 $0xFFFFE000  }
0x146: {  	_ =	swait.ge [sflag:s6], $0x2000  }
.Ltmp8:
0x147: {  	[sflag:s6] =	ssyncset.done $0x0;
	(pc) =	sbr.rel @!p1 .LBB2_14-.Ltmp8, $4  }
0x148: {  	[sflag:s6] =	ssyncadd.s32 $0xFFFFE000  }
0x149: {  	_ =	swait.ge [sflag:s6], $0x2000  }
0x14a: {  	[sflag:s6] =	ssyncset.done $0x0  }
0x14b: {  	[sflag:s6] =	ssyncadd.s32 $0xFFFFE000  }
.LBB2_16:
0x14c: {  	_ =	swait.ge [sflag:s22], $0x2000  }
0x14d: {  	[sflag:s22] =	ssyncset.done $0x0  }
0x14e: {  	[sflag:s22] =	ssyncadd.s32 $0xFFFFE000  }
0x14f: {  	_ =	swait.ge [sflag:s22], $0x2000  }
.Ltmp9:
0x150: {  	[sflag:s22] =	ssyncset.done $0x0;
	(pc) =	sbr.rel @!p0 .LBB2_18-.Ltmp9, $4  }
.Ltmp10:
0x151: {  	[sflag:s22] =	ssyncadd.s32 $0xFFFFE000;
	(pc) =	sbr.rel @p0 .LBB2_17-.Ltmp10, $4  }
0x152: {  	_ =	swait.ge [sflag:s22], $0x2000  }
0x153: {  	[sflag:s22] =	ssyncset.done $0x0  }
0x154: {  	s7 =	simm.s32 $0x4;
	[sflag:s22] =	ssyncadd.s32 $0xFFFFE000  }
0x155: {  	_ = 	snop  }
.LBB2_6:
0x156: {  	p1 =	seq.s32 @!p0 s7, $0x2  }
0x157: {  	p1 =	por p0, !p1  }
.Ltmp11:
0x158: {  	_ = 	snop;
	(pc) =	sbr.rel @p1 .LBB2_7-.Ltmp11, $1  }
0x159: {  	_ =	sdelay $0x3  }
0x15a: {  	s7 =	sshll.u32 s9, $0x7  }
0x15b: {  	s7 =	sand.u32 $0x3FFFFF80, s7  }
0x15c: {  	v7 =	vld [tilespmem:s7+$0x0];
	_ =	sdelay $0x4  }
0x15d: {  	v8 =	vshll.u32 v7, $0x1  }
0x15e: {  	v7 =	vand.u32 $0x7, v7;
	v8 =	vand.u32 $0xFFFFFFF0, v8  }
0x15f: {  	v7 =	vor.u32 v7, v8  }
0x160: {  	v8 =	vperm.xlane v7, v0;
	_ =	sdelay $0x1  }
0x161: {  	v7 =	vperm.xlane v7, v2;
	v8 =	vadd.s32 v1, v8;
	_ =	sdelay $0x1  }
0x162: {  	v7 =	vadd.s32 v1, v7;
	_ =	sdelay $0x1  }
0x163: {  	s10 =	simm.s32 $0x1800  }
0x164: {  	[tilespmem:s10], [sflag:$0x1] =	stream.indirect_vreg.gather [hbm4b:s1+s4], $0x80, v8, vm0, $0xb8;
	[tilespmem:$0x19C00] =	vst v63  }
0x165: {  	s11 =	simm.s32 $0x2000  }
0x166: {  	[tilespmem:s11], [sflag:$0x1] =	stream.indirect_vreg.gather [hbm4b:s1+s4], $0x80, v7, vm0, $0xb8;
	[tilespmem:$0x19C00] =	vst v63  }
0x167: {  	v7 =	vld [tilespmem:s7+$0x10];
	_ =	sdelay $0x4  }
0x168: {  	v8 =	vshll.u32 v7, $0x1  }
0x169: {  	v7 =	vand.u32 $0x7, v7;
	v8 =	vand.u32 $0xFFFFFFF0, v8  }
0x16a: {  	v7 =	vor.u32 v7, v8  }
0x16b: {  	v8 =	vperm.xlane v7, v0;
	_ =	sdelay $0x1  }
0x16c: {  	v7 =	vperm.xlane v7, v2;
	v8 =	vadd.s32 v1, v8;
	_ =	sdelay $0x1  }
0x16d: {  	v7 =	vadd.s32 v1, v7;
	_ =	sdelay $0x1  }
0x16e: {  	s12 =	simm.s32 $0x2800  }
0x16f: {  	[tilespmem:s12], [sflag:$0x1] =	stream.indirect_vreg.gather [hbm4b:s1+s4], $0x80, v8, vm0, $0xb8;
	[tilespmem:$0x19C00] =	vst v63  }
0x170: {  	s14 =	simm.s32 $0x3000  }
0x171: {  	[tilespmem:s14], [sflag:$0x1] =	stream.indirect_vreg.gather [hbm4b:s1+s4], $0x80, v7, vm0, $0xb8;
	[tilespmem:$0x19C00] =	vst v63  }
0x172: {  	v7 =	vld [tilespmem:s7+$0x800];
	_ =	sdelay $0x4  }
0x173: {  	v8 =	vshll.u32 v7, $0x1  }
0x174: {  	v7 =	vand.u32 $0x7, v7;
	v8 =	vand.u32 $0xFFFFFFF0, v8  }
0x175: {  	v7 =	vor.u32 v7, v8  }
0x176: {  	v8 =	vperm.xlane v7, v0;
	_ =	sdelay $0x1  }
0x177: {  	v7 =	vperm.xlane v7, v2;
	v8 =	vadd.s32 v1, v8;
	_ =	sdelay $0x1  }
0x178: {  	v7 =	vadd.s32 v1, v7;
	_ =	sdelay $0x1  }
0x179: {  	s15 =	simm.s32 $0x9800  }
0x17a: {  	[tilespmem:s15], [sflag:$0x1] =	stream.indirect_vreg.gather [hbm4b:s3+s4], $0x80, v8, vm0, $0xb8;
	[tilespmem:$0x19C00] =	vst v63  }
0x17b: {  	s16 =	simm.s32 $0xA000  }
0x17c: {  	[tilespmem:s16], [sflag:$0x1] =	stream.indirect_vreg.gather [hbm4b:s3+s4], $0x80, v7, vm0, $0xb8;
	[tilespmem:$0x19C00] =	vst v63  }
0x17d: {  	v7 =	vld [tilespmem:s7+$0x810];
	_ =	sdelay $0x4  }
0x17e: {  	v8 =	vshll.u32 v7, $0x1  }
0x17f: {  	v7 =	vand.u32 $0x7, v7;
	v8 =	vand.u32 $0xFFFFFFF0, v8  }
0x180: {  	v7 =	vor.u32 v7, v8  }
0x181: {  	v8 =	vperm.xlane v7, v0;
	_ =	sdelay $0x1  }
0x182: {  	v7 =	vperm.xlane v7, v2;
	v8 =	vadd.s32 v1, v8;
	_ =	sdelay $0x1  }
0x183: {  	v7 =	vadd.s32 v1, v7;
	_ =	sdelay $0x1  }
0x184: {  	s10 =	simm.s32 $0xA800  }
0x185: {  	[tilespmem:s10], [sflag:$0x1] =	stream.indirect_vreg.gather [hbm4b:s3+s4], $0x80, v8, vm0, $0xb8;
	[tilespmem:$0x19C00] =	vst v63  }
0x186: {  	s11 =	simm.s32 $0xB000  }
0x187: {  	[tilespmem:s11], [sflag:$0x1] =	stream.indirect_vreg.gather [hbm4b:s3+s4], $0x80, v7, vm0, $0xb8;
	[tilespmem:$0x19C00] =	vst v63  }
0x188: {  	v7 =	vld [tilespmem:s7+$0x1000];
	_ =	sdelay $0x4  }
0x189: {  	v8 =	vshll.u32 v7, $0x1  }
0x18a: {  	v7 =	vand.u32 $0x7, v7;
	v8 =	vand.u32 $0xFFFFFFF0, v8  }
0x18b: {  	v7 =	vor.u32 v7, v8  }
0x18c: {  	v8 =	vperm.xlane v7, v0;
	_ =	sdelay $0x1  }
0x18d: {  	v7 =	vperm.xlane v7, v2;
	v8 =	vadd.s32 v1, v8;
	_ =	sdelay $0x1  }
0x18e: {  	v7 =	vadd.s32 v1, v7;
	_ =	sdelay $0x1  }
0x18f: {  	s12 =	simm.s32 $0x11800  }
0x190: {  	[tilespmem:s12], [sflag:$0x1] =	stream.indirect_vreg.gather [hbm4b:s1+s4], $0x80, v8, vm0, $0xb8;
	[tilespmem:$0x19C00] =	vst v63  }
0x191: {  	s14 =	simm.s32 $0x12000  }
0x192: {  	[tilespmem:s14], [sflag:$0x1] =	stream.indirect_vreg.gather [hbm4b:s1+s4], $0x80, v7, vm0, $0xb8;
	[tilespmem:$0x19C00] =	vst v63  }
0x193: {  	v7 =	vld [tilespmem:s7+$0x1010];
	_ =	sdelay $0x4  }
0x194: {  	v8 =	vshll.u32 v7, $0x1  }
0x195: {  	v7 =	vand.u32 $0x7, v7;
	v8 =	vand.u32 $0xFFFFFFF0, v8  }
0x196: {  	v7 =	vor.u32 v7, v8  }
0x197: {  	v8 =	vperm.xlane v7, v0;
	_ =	sdelay $0x1  }
0x198: {  	v7 =	vperm.xlane v7, v2;
	v8 =	vadd.s32 v1, v8;
	_ =	sdelay $0x1  }
0x199: {  	v7 =	vadd.s32 v1, v7  }
.Ltmp12:
0x19a: {  	_ = 	snop;
	(pc) =	sbr.rel .LBB2_17-.Ltmp12, $4  }
0x19b: {  	s15 =	simm.s32 $0x12800  }
0x19c: {  	[tilespmem:s15], [sflag:$0x1] =	stream.indirect_vreg.gather [hbm4b:s1+s4], $0x80, v8, vm0, $0xb8;
	[tilespmem:$0x19C00] =	vst v63  }
0x19d: {  	s16 =	simm.s32 $0x13000;
	s7 =	simm.s32 $0x3  }
0x19e: {  	[tilespmem:s16], [sflag:$0x1] =	stream.indirect_vreg.gather [hbm4b:s1+s4], $0x80, v7, vm0, $0xb8;
	[tilespmem:$0x19C00] =	vst v63  }
.LBB2_7:
0x19f: {  	p1 =	sne.s32 @!p0 s7, $0x3  }
0x1a0: {  	p0 =	por p0, p1  }
.Ltmp13:
0x1a1: {  	_ = 	snop;
	(pc) =	sbr.rel @p0 .LBB2_10-.Ltmp13, $1  }
0x1a2: {  	_ =	sdelay $0x3  }
0x1a3: {  	s7 =	sshll.u32 s9, $0x7  }
0x1a4: {  	s7 =	sand.u32 $0x3FFFFF80, s7  }
0x1a5: {  	v7 =	vld [tilespmem:s7+$0x0];
	_ =	sdelay $0x4  }
0x1a6: {  	v8 =	vshll.u32 v7, $0x1  }
0x1a7: {  	v7 =	vand.u32 $0x7, v7;
	v8 =	vand.u32 $0xFFFFFFF0, v8  }
0x1a8: {  	v7 =	vor.u32 v7, v8  }
0x1a9: {  	v8 =	vperm.xlane v7, v0;
	_ =	sdelay $0x1  }
0x1aa: {  	v7 =	vperm.xlane v7, v2;
	v8 =	vadd.s32 v1, v8;
	_ =	sdelay $0x1  }
0x1ab: {  	v7 =	vadd.s32 v1, v7;
	_ =	sdelay $0x1  }
0x1ac: {  	s10 =	simm.s32 $0x3800  }
0x1ad: {  	[tilespmem:s10], [sflag:$0x2] =	stream.indirect_vreg.gather [hbm4b:s1+s4], $0x80, v8, vm0, $0xb8;
	[tilespmem:$0x19C00] =	vst v63  }
0x1ae: {  	s11 =	simm.s32 $0x4000  }
0x1af: {  	[tilespmem:s11], [sflag:$0x2] =	stream.indirect_vreg.gather [hbm4b:s1+s4], $0x80, v7, vm0, $0xb8;
	[tilespmem:$0x19C00] =	vst v63  }
0x1b0: {  	v7 =	vld [tilespmem:s7+$0x10];
	_ =	sdelay $0x4  }
0x1b1: {  	v8 =	vshll.u32 v7, $0x1  }
0x1b2: {  	v7 =	vand.u32 $0x7, v7;
	v8 =	vand.u32 $0xFFFFFFF0, v8  }
0x1b3: {  	v7 =	vor.u32 v7, v8  }
0x1b4: {  	v8 =	vperm.xlane v7, v0;
	_ =	sdelay $0x1  }
0x1b5: {  	v7 =	vperm.xlane v7, v2;
	v8 =	vadd.s32 v1, v8;
	_ =	sdelay $0x1  }
0x1b6: {  	v7 =	vadd.s32 v1, v7;
	_ =	sdelay $0x1  }
0x1b7: {  	s12 =	simm.s32 $0x4800  }
0x1b8: {  	[tilespmem:s12], [sflag:$0x2] =	stream.indirect_vreg.gather [hbm4b:s1+s4], $0x80, v8, vm0, $0xb8;
	[tilespmem:$0x19C00] =	vst v63  }
0x1b9: {  	s14 =	simm.s32 $0x5000  }
0x1ba: {  	[tilespmem:s14], [sflag:$0x2] =	stream.indirect_vreg.gather [hbm4b:s1+s4], $0x80, v7, vm0, $0xb8;
	[tilespmem:$0x19C00] =	vst v63  }
0x1bb: {  	v7 =	vld [tilespmem:s7+$0x800];
	_ =	sdelay $0x4  }
0x1bc: {  	v8 =	vshll.u32 v7, $0x1  }
0x1bd: {  	v7 =	vand.u32 $0x7, v7;
	v8 =	vand.u32 $0xFFFFFFF0, v8  }
0x1be: {  	v7 =	vor.u32 v7, v8  }
0x1bf: {  	v8 =	vperm.xlane v7, v0;
	_ =	sdelay $0x1  }
0x1c0: {  	v7 =	vperm.xlane v7, v2;
	v8 =	vadd.s32 v1, v8;
	_ =	sdelay $0x1  }
0x1c1: {  	v7 =	vadd.s32 v1, v7;
	_ =	sdelay $0x1  }
0x1c2: {  	s15 =	simm.s32 $0xB800  }
0x1c3: {  	[tilespmem:s15], [sflag:$0x2] =	stream.indirect_vreg.gather [hbm4b:s3+s4], $0x80, v8, vm0, $0xb8;
	[tilespmem:$0x19C00] =	vst v63  }
0x1c4: {  	s16 =	simm.s32 $0xC000  }
0x1c5: {  	[tilespmem:s16], [sflag:$0x2] =	stream.indirect_vreg.gather [hbm4b:s3+s4], $0x80, v7, vm0, $0xb8;
	[tilespmem:$0x19C00] =	vst v63  }
0x1c6: {  	v7 =	vld [tilespmem:s7+$0x810];
	_ =	sdelay $0x4  }
0x1c7: {  	v8 =	vshll.u32 v7, $0x1  }
0x1c8: {  	v7 =	vand.u32 $0x7, v7;
	v8 =	vand.u32 $0xFFFFFFF0, v8  }
0x1c9: {  	v7 =	vor.u32 v7, v8  }
0x1ca: {  	v8 =	vperm.xlane v7, v0;
	_ =	sdelay $0x1  }
0x1cb: {  	v7 =	vperm.xlane v7, v2;
	v8 =	vadd.s32 v1, v8;
	_ =	sdelay $0x1  }
0x1cc: {  	v7 =	vadd.s32 v1, v7;
	_ =	sdelay $0x1  }
0x1cd: {  	s10 =	simm.s32 $0xC800  }
0x1ce: {  	[tilespmem:s10], [sflag:$0x2] =	stream.indirect_vreg.gather [hbm4b:s3+s4], $0x80, v8, vm0, $0xb8;
	[tilespmem:$0x19C00] =	vst v63  }
0x1cf: {  	s11 =	simm.s32 $0xD000  }
0x1d0: {  	[tilespmem:s11], [sflag:$0x2] =	stream.indirect_vreg.gather [hbm4b:s3+s4], $0x80, v7, vm0, $0xb8;
	[tilespmem:$0x19C00] =	vst v63  }
0x1d1: {  	v7 =	vld [tilespmem:s7+$0x1000];
	_ =	sdelay $0x4  }
0x1d2: {  	v8 =	vshll.u32 v7, $0x1  }
0x1d3: {  	v7 =	vand.u32 $0x7, v7;
	v8 =	vand.u32 $0xFFFFFFF0, v8  }
0x1d4: {  	v7 =	vor.u32 v7, v8  }
0x1d5: {  	v8 =	vperm.xlane v7, v0;
	_ =	sdelay $0x1  }
0x1d6: {  	v7 =	vperm.xlane v7, v2;
	v8 =	vadd.s32 v1, v8;
	_ =	sdelay $0x1  }
0x1d7: {  	v7 =	vadd.s32 v1, v7;
	_ =	sdelay $0x1  }
0x1d8: {  	s12 =	simm.s32 $0x13800  }
0x1d9: {  	[tilespmem:s12], [sflag:$0x2] =	stream.indirect_vreg.gather [hbm4b:s1+s4], $0x80, v8, vm0, $0xb8;
	[tilespmem:$0x19C00] =	vst v63  }
0x1da: {  	s14 =	simm.s32 $0x14000  }
0x1db: {  	[tilespmem:s14], [sflag:$0x2] =	stream.indirect_vreg.gather [hbm4b:s1+s4], $0x80, v7, vm0, $0xb8;
	[tilespmem:$0x19C00] =	vst v63  }
0x1dc: {  	v7 =	vld [tilespmem:s7+$0x1010];
	_ =	sdelay $0x4  }
0x1dd: {  	v8 =	vshll.u32 v7, $0x1  }
0x1de: {  	v7 =	vand.u32 $0x7, v7;
	v8 =	vand.u32 $0xFFFFFFF0, v8  }
0x1df: {  	v7 =	vor.u32 v7, v8  }
0x1e0: {  	v8 =	vperm.xlane v7, v0;
	_ =	sdelay $0x1  }
0x1e1: {  	v7 =	vperm.xlane v7, v2;
	v8 =	vadd.s32 v1, v8;
	_ =	sdelay $0x1  }
0x1e2: {  	v7 =	vadd.s32 v1, v7;
	_ =	sdelay $0x1  }
0x1e3: {  	s15 =	simm.s32 $0x14800  }
0x1e4: {  	[tilespmem:s15], [sflag:$0x2] =	stream.indirect_vreg.gather [hbm4b:s1+s4], $0x80, v8, vm0, $0xb8;
	[tilespmem:$0x19C00] =	vst v63  }
0x1e5: {  	s16 =	simm.s32 $0x15000;
	s7 =	simm.s32 $0x4  }
0x1e6: {  	[tilespmem:s16], [sflag:$0x2] =	stream.indirect_vreg.gather [hbm4b:s1+s4], $0x80, v7, vm0, $0xb8;
	[tilespmem:$0x19C00] =	vst v63  }
.LBB2_17:
0x1e7: {  	_ =	swait.ge [sflag:s7], $0x2000  }
0x1e8: {  	[sflag:s7] =	ssyncset.done $0x0  }
0x1e9: {  	[sflag:s7] =	ssyncadd.s32 $0xFFFFE000  }
0x1ea: {  	_ =	swait.ge [sflag:s7], $0x2000  }
0x1eb: {  	[sflag:s7] =	ssyncset.done $0x0  }
0x1ec: {  	[sflag:s7] =	ssyncadd.s32 $0xFFFFE000  }
0x1ed: {  	_ =	swait.ge [sflag:s7], $0x2000  }
0x1ee: {  	[sflag:s7] =	ssyncset.done $0x0  }
0x1ef: {  	[sflag:s7] =	ssyncadd.s32 $0xFFFFE000  }
.LBB2_18:
0x1f0: {  	s7 =	simm.s32 $0x0  }
0x1f1: {  	s9 =	sand.u32 $0x7800, s13;
	s7 =	sand.u32 $0x300, s7  }
0x1f2: {  	s7 =	sor.u32 s7, s9  }
0x1f3: {  	v7 =	vld [tilespmem:s7+$0x9870]  }
0x1f4: {  	v8 =	vld [tilespmem:s7+$0x9C70]  }
0x1f5: {  	v9 =	vld [tilespmem:s7+$0x9860]  }
0x1f6: {  	v10 =	vld [tilespmem:s7+$0x9C60]  }
0x1f7: {  	v11 =	vld [tilespmem:s7+$0x9850]  }
0x1f8: {  	v12 =	vld [tilespmem:s7+$0x9C50]  }
0x1f9: {  	v13 =	vld [tilespmem:s7+$0x9840]  }
0x1fa: {  	v14 =	vld [tilespmem:s7+$0x9C40]  }
0x1fb: {  	v15 =	vld [tilespmem:s7+$0x9830]  }
0x1fc: {  	v16 =	vld [tilespmem:s7+$0x9C30]  }
0x1fd: {  	v17 =	vld [tilespmem:s7+$0x9820]  }
0x1fe: {  	v18 =	vld [tilespmem:s7+$0x9C20]  }
0x1ff: {  	v19 =	vld [tilespmem:s7+$0x1800]  }
0x200: {  	v20 =	vld [tilespmem:s7+$0x9800]  }
0x201: {  	v21 =	vld [tilespmem:s7+$0x9C00]  }
0x202: {  	v22 =	vld [tilespmem:s7+$0x11800]  }
0x203: {  	v23 =	vld [tilespmem:s7+$0x11C00]  }
0x204: {  	v24 =	vld [tilespmem:s7+$0x9810]  }
0x205: {  	v25 =	vld [tilespmem:s7+$0x9C10]  }
0x206: {  	v26 =	vld [tilespmem:s7+$0x11810]  }
0x207: {  	v27 =	vld [tilespmem:s7+$0x11C10]  }
0x208: {  	v28 =	vld [tilespmem:s7+$0x11820]  }
0x209: {  	v29 =	vld [tilespmem:s7+$0x1C00]  }
0x20a: {  	v30 =	vld [tilespmem:s7+$0x11C20]  }
0x20b: {  	v31 =	vld [tilespmem:s7+$0x1810]  }
0x20c: {  	v32 =	vld [tilespmem:s7+$0x11830]  }
0x20d: {  	v33 =	vld [tilespmem:s7+$0x1C10]  }
0x20e: {  	v36 =	vld [tilespmem:s7+$0x11C30]  }
0x20f: {  	v37 =	vld [tilespmem:s7+$0x1820]  }
0x210: {  	v62 =	vld [tilespmem:s7+$0x11840]  }
0x211: {  	v63 =	vld [tilespmem:s7+$0x1C20]  }
0x212: {  	v40 =	vld [tilespmem:s7+$0x11C40]  }
0x213: {  	v38 =	vld [tilespmem:s7+$0x1830]  }
0x214: {  	v43 =	vld [tilespmem:s7+$0x11850];
	v34 =	vmul.f32 v22, v20;
	v35 =	vmul.f32 v23, v21  }
0x215: {  	v45 =	vld [tilespmem:s7+$0x1C30];
	v20 =	vmul.f32 v23, v20;
	v21 =	vmul.f32 v22, v21  }
0x216: {  	v47 =	vld [tilespmem:s7+$0x11C50];
	v41 =	vmul.f32 v26, v24;
	v42 =	vmul.f32 v27, v25  }
0x217: {  	v49 =	vld [tilespmem:s7+$0x1840];
	v24 =	vmul.f32 v27, v24;
	v25 =	vmul.f32 v26, v25;
	v34 =	vadd.f32 v35, v34  }
0x218: {  	v50 =	vld [tilespmem:s7+$0x11860];
	v46 =	vmul.f32 v28, v17;
	v48 =	vmul.f32 v30, v18  }
0x219: {  	v51 =	vld [tilespmem:s7+$0x1C40];
	v17 =	vmul.f32 v30, v17;
	v20 =	vsub.f32 v20, v21;
	v19 =	vmul.f32 v34, v19  }
0x21a: {  	v52 =	vld [tilespmem:s7+$0x11C60];
	v18 =	vmul.f32 v28, v18;
	v54 =	vmul.f32 v32, v15  }
0x21b: {  	s10 =	simm.s32 $0x80;
	v53 =	vld [tilespmem:s7+$0x1850];
	v44 =	vadd.f32 v42, v41;
	v20 =	vmul.f32 v20, v29;
	v19 =	vadd.f32 $0.0e+00, v19  }
0x21c: {  	s10 =	sand.u32 $0x380, s10;
	v56 =	vld [tilespmem:s7+$0x11870];
	v55 =	vmul.f32 v36, v16;
	v15 =	vmul.f32 v36, v15  }
0x21d: {  	s9 =	sor.u32 s10, s9;
	v58 =	vld [tilespmem:s7+$0x11C70];
	v24 =	vsub.f32 v24, v25;
	v26 =	vmul.f32 v44, v31;
	v19 =	vadd.f32 v19, v20  }
0x21e: {  	v60 =	vld [tilespmem:s9+$0x9800];
	v16 =	vmul.f32 v32, v16;
	v59 =	vmul.f32 v62, v13  }
0x21f: {  	v61 =	vld [tilespmem:s7+$0x1C60];
	v25 =	vadd.f32 v48, v46;
	v24 =	vmul.f32 v24, v33;
	v19 =	vadd.f32 v26, v19  }
0x220: {  	v36 =	vld [tilespmem:s7+$0x1C70];
	v17 =	vsub.f32 v17, v18;
	v15 =	vsub.f32 v15, v16;
	v16 =	vmul.f32 v40, v14  }
0x221: {  	v14 =	vmul.f32 v62, v14;
	v62 =	vld [tilespmem:s9+$0x9C00];
	v18 =	vmul.f32 v25, v37;
	v19 =	vadd.f32 v19, v24  }
0x222: {  	v13 =	vmul.f32 v40, v13;
	v40 =	vld [tilespmem:s9+$0x11810]  }
0x223: {  	v57 =	vadd.f32 v55, v54;
	v46 =	vld [tilespmem:s9+$0x1C10];
	v17 =	vmul.f32 v17, v63;
	v18 =	vadd.f32 v18, v19  }
0x224: {  	v48 =	vld [tilespmem:s9+$0x9C30]  }
0x225: {  	v41 =	vmul.f32 v56, v7;
	v54 =	vld [tilespmem:s9+$0x11840];
	v23 =	vmul.f32 v57, v38;
	v17 =	vadd.f32 v18, v17  }
0x226: {  	v42 =	vmul.f32 v58, v8;
	v8 =	vmul.f32 v56, v8;
	v55 =	vld [tilespmem:s9+$0x11C40]  }
0x227: {  	v56 =	vld [tilespmem:s9+$0x9C50];
	v15 =	vmul.f32 v15, v45;
	v16 =	vadd.f32 v16, v59;
	v17 =	vadd.f32 v23, v17  }
0x228: {  	v39 =	vmul.f32 v52, v10;
	v35 =	vmul.f32 v47, v12;
	v63 =	vld [tilespmem:s7+$0x1870];
	v13 =	vsub.f32 v13, v14  }
0x229: {  	v37 =	vld [tilespmem:s9+$0x1800];
	v14 =	vmul.f32 v16, v49;
	v15 =	vadd.f32 v17, v15;
	v17 =	vmul.f32 v43, v11  }
0x22a: {  	v12 =	vmul.f32 v43, v12;
	v13 =	vmul.f32 v13, v51;
	v19 =	vld [tilespmem:s7+$0x1C50]  }
0x22b: {  	v16 =	vld [tilespmem:s9+$0x11800];
	v11 =	vmul.f32 v47, v11;
	v14 =	vadd.f32 v14, v15;
	v17 =	vadd.f32 v35, v17  }
0x22c: {  	v10 =	vmul.f32 v50, v10;
	v38 =	vmul.f32 v50, v9;
	v18 =	vld [tilespmem:s7+$0x1860]  }
0x22d: {  	v15 =	vld [tilespmem:s9+$0x11C00];
	v11 =	vsub.f32 v11, v12;
	v13 =	vadd.f32 v14, v13;
	v12 =	vmul.f32 v17, v53  }
0x22e: {  	v7 =	vmul.f32 v58, v7;
	v9 =	vmul.f32 v52, v9;
	v44 =	vld [tilespmem:s9+$0x11820]  }
0x22f: {  	v14 =	vld [tilespmem:s9+$0x9810];
	v11 =	vmul.f32 v11, v19;
	v12 =	vadd.f32 v12, v13;
	v13 =	vadd.f32 v39, v38  }
0x230: {  	v7 =	vsub.f32 v7, v8;
	v9 =	vsub.f32 v9, v10;
	v8 =	vmul.f32 v16, v60;
	v17 =	vld [tilespmem:s9+$0x9C10]  }
0x231: {  	v16 =	vmul.f32 v16, v62;
	v19 =	vld [tilespmem:s9+$0x11C10];
	v11 =	vadd.f32 v12, v11;
	v10 =	vmul.f32 v13, v18  }
0x232: {  	v50 =	vld [tilespmem:s9+$0x11C30];
	v45 =	vmul.f32 v15, v62;
	v15 =	vmul.f32 v15, v60  }
0x233: {  	v9 =	vmul.f32 v9, v61;
	v43 =	vld [tilespmem:s9+$0x1C00];
	v10 =	vadd.f32 v10, v11;
	v11 =	vadd.f32 v42, v41  }
0x234: {  	v12 =	vld [tilespmem:s9+$0x1810];
	v8 =	vadd.f32 v45, v8;
	v15 =	vsub.f32 v15, v16  }
0x235: {  	v13 =	vld [tilespmem:s9+$0x9820];
	v16 =	vmul.f32 v40, v14;
	v9 =	vadd.f32 v10, v9;
	v10 =	vmul.f32 v11, v63  }
0x236: {  	v18 =	vld [tilespmem:s9+$0x9C20];
	v49 =	vmul.f32 v19, v17;
	v8 =	vmul.f32 v8, v37  }
0x237: {  	v7 =	vmul.f32 v7, v36;
	v11 =	vld [tilespmem:s9+$0x11C20];
	v9 =	vadd.f32 v10, v9  }
0x238: {  	v47 =	vld [tilespmem:s9+$0x1820];
	v15 =	vmul.f32 v15, v43;
	v16 =	vadd.f32 v49, v16;
	v8 =	vadd.f32 $0.0e+00, v8  }
0x239: {  	v14 =	vmul.f32 v19, v14;
	v17 =	vmul.f32 v40, v17;
	v10 =	vld [tilespmem:s9+$0x9830];
	v7 =	vadd.f32 v9, v7  }
0x23a: {  	v12 =	vmul.f32 v16, v12;
	v8 =	vadd.f32 v8, v15;
	v15 =	vld [tilespmem:s9+$0x9C40]  }
0x23b: {  	v14 =	vsub.f32 v14, v17;
	v9 =	vld [tilespmem:s9+$0x11830];
	v51 =	vperm.xlane v7, v3  }
0x23c: {  	v52 =	vld [tilespmem:s9+$0x1C20];
	v16 =	vmul.f32 v44, v13;
	v17 =	vmul.f32 v11, v18;
	v8 =	vadd.f32 v12, v8  }
0x23d: {  	v53 =	vld [tilespmem:s9+$0x1830];
	v12 =	vmul.f32 v14, v46;
	v11 =	vmul.f32 v11, v13;
	v7 =	vadd.f32 v7, v51  }
0x23e: {  	v60 =	vld [tilespmem:s9+$0x1C40];
	v14 =	vadd.f32 v17, v16;
	v17 =	vmul.f32 v44, v18;
	v18 =	vmul.f32 v50, v48  }
0x23f: {  	v19 =	vld [tilespmem:s9+$0x9840];
	v8 =	vadd.f32 v8, v12;
	v59 =	vmul.f32 v55, v15;
	v27 =	vperm.xlane v7, v4  }
0x240: {  	v13 =	vld [tilespmem:s9+$0x1840];
	v12 =	vmul.f32 v14, v47;
	v11 =	vsub.f32 v11, v17;
	v17 =	vmul.f32 v9, v10  }
0x241: {  	v16 =	vld [tilespmem:s9+$0x1C30];
	v9 =	vmul.f32 v9, v48;
	v10 =	vmul.f32 v50, v10;
	v7 =	vadd.f32 v7, v27  }
0x242: {  	v14 =	vld [tilespmem:s9+$0x9850];
	v8 =	vadd.f32 v12, v8;
	v11 =	vmul.f32 v11, v52;
	v17 =	vadd.f32 v18, v17  }
0x243: {  	v15 =	vmul.f32 v54, v15;
	v12 =	vld [tilespmem:s9+$0x11850];
	v57 =	vperm.xlane v7, v5  }
0x244: {  	v18 =	vld [tilespmem:s9+$0x11C50];
	v9 =	vsub.f32 v10, v9;
	v8 =	vadd.f32 v8, v11;
	v10 =	vmul.f32 v17, v53  }
0x245: {  	v11 =	vld [tilespmem:s9+$0x1850];
	v17 =	vmul.f32 v55, v19;
	v58 =	vadd.f32 v7, v57;
	v7 =	vmul.f32 v54, v19  }
0x246: {  	v9 =	vmul.f32 v9, v16;
	v16 =	vld [tilespmem:s9+$0x9C60];
	v8 =	vadd.f32 v10, v8  }
0x247: {  	v15 =	vsub.f32 v17, v15;
	v17 =	vld [tilespmem:s9+$0x11860];
	v7 =	vadd.f32 v59, v7  }
0x248: {  	v19 =	vld [tilespmem:s9+$0x9860];
	v8 =	vadd.f32 v8, v9;
	v9 =	vmul.f32 v12, v14;
	v10 =	vperm.xlane v58, v6  }
0x249: {  	v61 =	vld [tilespmem:s9+$0x11C60];
	v7 =	vmul.f32 v7, v13;
	v13 =	vmul.f32 v18, v56  }
0x24a: {  	v12 =	vmul.f32 v12, v56;
	v14 =	vmul.f32 v18, v14;
	v18 =	vld [tilespmem:s9+$0x1C50];
	v62 =	vadd.f32 v58, v10  }
0x24b: {  	v15 =	vmul.f32 v15, v60;
	v10 =	vld [tilespmem:s9+$0x9C70];
	v8 =	vadd.f32 v7, v8;
	v13 =	vadd.f32 v13, v9  }
0x24c: {  	v63 =	vsub.f32 v14, v12;
	v12 =	vmul.f32 v17, v16;
	v7 =	vld [tilespmem:s9+$0x1860]  }
0x24d: {  	v9 =	vld [tilespmem:s9+$0x9870];
	v14 =	vadd.f32 v8, v15;
	v11 =	vmul.f32 v13, v11;
	v13 =	vmul.f32 v17, v19  }
0x24e: {  	s10 =	simm.s32 $0x19A10;
	v15 =	vmul.f32 v61, v16;
	v8 =	vld [tilespmem:s9+$0x11870];
	v16 =	vmul.f32 v61, v19  }
0x24f: {  	s11 =	simm.s32 $0x0;
	s12 =	simm.s32 $0x180;
	s7 =	smov.u32 s13;
	[tilespmem:s10+$0xFFFFFFF0] =	vst v62;
	v17 =	vmul.f32 v63, v18;
	v14 =	vadd.f32 v11, v14;
	v11 =	vld [tilespmem:s9+$0x11C70]  }
.LBB2_19:
0x250: {  	s14 =	sadd.s32 $0xFFFFFF80, s12;
	s15 =	sand.u32 $0x380, s12;
	v18 =	vld [tilespmem:s9+$0x1C60];
	v13 =	vadd.f32 v15, v13;
	v12 =	vsub.f32 v16, v12;
	s7 =	sadd.s32 $0x200, s7  }
0x251: {  	s16 =	sand.u32 $0x7800, s7;
	s14 =	sand.u32 $0x300, s14;
	v14 =	vadd.f32 v14, v17;
	v15 =	vld [tilespmem:s9+$0x1870]  }
0x252: {  	s14 =	sor.u32 s14, s16;
	v13 =	vmul.f32 v13, v7;
	v16 =	vld [tilespmem:s9+$0x1C70];
	s9 =	sor.u32 s15, s16  }
0x253: {  	v7 =	vld [tilespmem:s14+$0x9870];
	v17 =	vmul.f32 v8, v9;
	v19 =	vmul.f32 v8, v10  }
0x254: {  	v8 =	vld [tilespmem:s14+$0x9C70];
	v13 =	vadd.f32 v13, v14;
	v14 =	vmul.f32 v11, v10;
	v11 =	vmul.f32 v11, v9  }
0x255: {  	v9 =	vld [tilespmem:s14+$0x9860];
	v12 =	vmul.f32 v12, v18  }
0x256: {  	v10 =	vld [tilespmem:s14+$0x9C60];
	v14 =	vadd.f32 v14, v17;
	v17 =	vsub.f32 v11, v19  }
0x257: {  	v11 =	vld [tilespmem:s14+$0x9850];
	v13 =	vadd.f32 v13, v12  }
0x258: {  	v12 =	vld [tilespmem:s14+$0x9C50];
	v14 =	vmul.f32 v14, v15;
	v15 =	vmul.f32 v17, v16  }
0x259: {  	v16 =	vld [tilespmem:s14+$0x9840]  }
0x25a: {  	v17 =	vld [tilespmem:s14+$0x9C40];
	v13 =	vadd.f32 v14, v13  }
0x25b: {  	v14 =	vld [tilespmem:s14+$0x9830]  }
0x25c: {  	v18 =	vld [tilespmem:s14+$0x9C30];
	v13 =	vadd.f32 v13, v15  }
0x25d: {  	v15 =	vld [tilespmem:s14+$0x9820]  }
0x25e: {  	v19 =	vld [tilespmem:s14+$0x9C20];
	v20 =	vperm.xlane v13, v3  }
0x25f: {  	v21 =	vld [tilespmem:s14+$0x1800]  }
0x260: {  	s11 =	sadd.s32 $0x2, s11;
	v22 =	vld [tilespmem:s14+$0x9800];
	v13 =	vadd.f32 v13, v20  }
0x261: {  	p0 =	slt.u32 s11, $0x1E;
	v20 =	vld [tilespmem:s14+$0x9C00]  }
0x262: {  	v23 =	vld [tilespmem:s14+$0x11800];
	v24 =	vperm.xlane v13, v4  }
0x263: {  	v25 =	vld [tilespmem:s14+$0x11C00]  }
0x264: {  	v26 =	vld [tilespmem:s14+$0x9810];
	v13 =	vadd.f32 v13, v24  }
0x265: {  	v24 =	vld [tilespmem:s14+$0x9C10]  }
0x266: {  	v27 =	vld [tilespmem:s14+$0x11810];
	v28 =	vperm.xlane v13, v5  }
0x267: {  	v29 =	vld [tilespmem:s14+$0x11C10]  }
0x268: {  	v30 =	vmul.f32 v23, v22;
	v31 =	vmul.f32 v25, v20;
	v32 =	vld [tilespmem:s14+$0x11820];
	v13 =	vadd.f32 v13, v28  }
0x269: {  	v28 =	vld [tilespmem:s14+$0x1C00]  }
0x26a: {  	v22 =	vmul.f32 v25, v22;
	v20 =	vmul.f32 v23, v20;
	v30 =	vadd.f32 v31, v30;
	v23 =	vld [tilespmem:s14+$0x11C20]  }
0x26b: {  	v33 =	vperm.xlane v13, v6;
	v25 =	vld [tilespmem:s14+$0x1810];
	v31 =	vmul.f32 v27, v26  }
0x26c: {  	v20 =	vsub.f32 v22, v20;
	v21 =	vmul.f32 v30, v21;
	v22 =	vmul.f32 v29, v24;
	v30 =	vld [tilespmem:s14+$0x11830]  }
0x26d: {  	v26 =	vmul.f32 v29, v26;
	v24 =	vmul.f32 v27, v24;
	v13 =	vadd.f32 v13, v33;
	v34 =	vld [tilespmem:s14+$0x1C10]  }
0x26e: {  	v21 =	vadd.f32 $0.0e+00, v21;
	v20 =	vmul.f32 v20, v28;
	v22 =	vadd.f32 v22, v31;
	v27 =	vld [tilespmem:s14+$0x11C30]  }
0x26f: {  	v29 =	vmul.f32 v32, v15;
	v28 =	vld [tilespmem:s14+$0x1820];
	v31 =	vmul.f32 v23, v19;
	[tilespmem:s10+$0x0] =	vst v13  }
0x270: {  	v13 =	vadd.f32 v21, v20;
	v20 =	vsub.f32 v26, v24;
	v21 =	vmul.f32 v22, v25;
	v22 =	vld [tilespmem:s14+$0x11840]  }
0x271: {  	v15 =	vmul.f32 v23, v15;
	v19 =	vmul.f32 v32, v19;
	v24 =	vld [tilespmem:s14+$0x1C20]  }
0x272: {  	v13 =	vadd.f32 v21, v13;
	v20 =	vmul.f32 v20, v34;
	v21 =	vadd.f32 v31, v29;
	v23 =	vld [tilespmem:s14+$0x11C40]  }
0x273: {  	v26 =	vmul.f32 v30, v14;
	v25 =	vld [tilespmem:s14+$0x1830];
	v29 =	vmul.f32 v27, v18  }
0x274: {  	v15 =	vsub.f32 v15, v19;
	v13 =	vadd.f32 v13, v20;
	v19 =	vmul.f32 v21, v28;
	v20 =	vld [tilespmem:s14+$0x11850]  }
0x275: {  	v14 =	vmul.f32 v27, v14;
	v18 =	vmul.f32 v30, v18;
	v21 =	vld [tilespmem:s14+$0x1C30]  }
0x276: {  	v13 =	vadd.f32 v19, v13;
	v15 =	vmul.f32 v15, v24;
	v19 =	vadd.f32 v29, v26;
	v24 =	vld [tilespmem:s14+$0x11C50]  }
0x277: {  	v27 =	vmul.f32 v22, v16;
	v26 =	vld [tilespmem:s14+$0x1840];
	v28 =	vmul.f32 v23, v17  }
0x278: {  	v14 =	vsub.f32 v14, v18;
	v13 =	vadd.f32 v13, v15;
	v15 =	vmul.f32 v19, v25;
	v18 =	vld [tilespmem:s14+$0x11860]  }
0x279: {  	v16 =	vmul.f32 v23, v16;
	v17 =	vmul.f32 v22, v17;
	v19 =	vld [tilespmem:s14+$0x1C40]  }
0x27a: {  	v13 =	vadd.f32 v15, v13;
	v14 =	vmul.f32 v14, v21;
	v15 =	vadd.f32 v28, v27;
	v21 =	vld [tilespmem:s14+$0x11C60]  }
0x27b: {  	v23 =	vmul.f32 v20, v11;
	v22 =	vld [tilespmem:s14+$0x1850];
	v25 =	vmul.f32 v24, v12  }
0x27c: {  	v13 =	vadd.f32 v13, v14;
	v14 =	vsub.f32 v16, v17;
	v15 =	vmul.f32 v15, v26;
	v16 =	vld [tilespmem:s14+$0x11870]  }
0x27d: {  	v11 =	vmul.f32 v24, v11;
	v12 =	vmul.f32 v20, v12;
	v17 =	vld [tilespmem:s14+$0x1C50]  }
0x27e: {  	v13 =	vadd.f32 v15, v13;
	v14 =	vmul.f32 v14, v19;
	v15 =	vadd.f32 v25, v23;
	v19 =	vld [tilespmem:s14+$0x11C70]  }
0x27f: {  	v23 =	vmul.f32 v18, v9;
	v20 =	vld [tilespmem:s14+$0x1860];
	v24 =	vmul.f32 v21, v10  }
0x280: {  	v11 =	vsub.f32 v11, v12;
	v13 =	vadd.f32 v13, v14;
	v12 =	vmul.f32 v15, v22;
	v14 =	vld [tilespmem:s9+$0x9800]  }
0x281: {  	v9 =	vmul.f32 v21, v9;
	v10 =	vmul.f32 v18, v10;
	v15 =	vld [tilespmem:s14+$0x1C60]  }
0x282: {  	v12 =	vadd.f32 v12, v13;
	v11 =	vmul.f32 v11, v17;
	v13 =	vadd.f32 v24, v23;
	v17 =	vld [tilespmem:s9+$0x9C00]  }
0x283: {  	v21 =	vmul.f32 v16, v7;
	v18 =	vld [tilespmem:s14+$0x1870];
	v22 =	vmul.f32 v19, v8  }
0x284: {  	v9 =	vsub.f32 v9, v10;
	v11 =	vadd.f32 v12, v11;
	v10 =	vmul.f32 v13, v20;
	v12 =	vld [tilespmem:s9+$0x11800]  }
0x285: {  	v7 =	vmul.f32 v19, v7;
	v8 =	vmul.f32 v16, v8;
	v13 =	vld [tilespmem:s14+$0x1C70]  }
0x286: {  	v10 =	vadd.f32 v10, v11;
	v9 =	vmul.f32 v9, v15;
	v11 =	vadd.f32 v22, v21;
	v15 =	vld [tilespmem:s9+$0x11C00]  }
0x287: {  	v16 =	vld [tilespmem:s9+$0x1800]  }
0x288: {  	v7 =	vsub.f32 v7, v8;
	v9 =	vadd.f32 v10, v9;
	v8 =	vmul.f32 v11, v18;
	v10 =	vld [tilespmem:s9+$0x9810]  }
0x289: {  	v11 =	vmul.f32 v12, v14;
	v12 =	vmul.f32 v12, v17;
	v18 =	vld [tilespmem:s9+$0x9C10]  }
0x28a: {  	v8 =	vadd.f32 v8, v9;
	v7 =	vmul.f32 v7, v13;
	v9 =	vld [tilespmem:s9+$0x11810]  }
0x28b: {  	v13 =	vmul.f32 v15, v17;
	v14 =	vmul.f32 v15, v14;
	v15 =	vld [tilespmem:s9+$0x11C10]  }
0x28c: {  	v7 =	vadd.f32 v8, v7;
	v8 =	vld [tilespmem:s9+$0x1C00]  }
0x28d: {  	v11 =	vadd.f32 v13, v11;
	v12 =	vsub.f32 v14, v12;
	v13 =	vld [tilespmem:s9+$0x1810]  }
0x28e: {  	v14 =	vperm.xlane v7, v3;
	v17 =	vld [tilespmem:s9+$0x9820]  }
0x28f: {  	v11 =	vmul.f32 v11, v16;
	v16 =	vmul.f32 v9, v10;
	v19 =	vld [tilespmem:s9+$0x9C20]  }
0x290: {  	v7 =	vadd.f32 v7, v14;
	v14 =	vmul.f32 v15, v18;
	v10 =	vmul.f32 v15, v10;
	v15 =	vld [tilespmem:s9+$0x11820]  }
0x291: {  	v9 =	vmul.f32 v9, v18;
	v11 =	vadd.f32 $0.0e+00, v11;
	v8 =	vmul.f32 v12, v8;
	v12 =	vld [tilespmem:s9+$0x11C20]  }
0x292: {  	v18 =	vperm.xlane v7, v4;
	v20 =	vld [tilespmem:s9+$0x1C10];
	v14 =	vadd.f32 v14, v16  }
0x293: {  	v9 =	vsub.f32 v10, v9;
	v8 =	vadd.f32 v11, v8;
	v10 =	vld [tilespmem:s9+$0x1820]  }
0x294: {  	v7 =	vadd.f32 v7, v18;
	v11 =	vmul.f32 v14, v13;
	v13 =	vld [tilespmem:s9+$0x9830]  }
0x295: {  	v14 =	vmul.f32 v15, v17;
	v15 =	vmul.f32 v15, v19;
	v16 =	vld [tilespmem:s9+$0x9C30]  }
0x296: {  	v18 =	vperm.xlane v7, v5;
	v8 =	vadd.f32 v11, v8;
	v11 =	vmul.f32 v12, v19;
	v19 =	vld [tilespmem:s9+$0x11830]  }
0x297: {  	v12 =	vmul.f32 v12, v17;
	v9 =	vmul.f32 v9, v20;
	v17 =	vld [tilespmem:s9+$0x11C30]  }
0x298: {  	v7 =	vadd.f32 v7, v18;
	v18 =	vld [tilespmem:s9+$0x1C20];
	v11 =	vadd.f32 v11, v14  }
0x299: {  	v8 =	vadd.f32 v8, v9;
	v9 =	vsub.f32 v12, v15;
	v12 =	vld [tilespmem:s9+$0x1830]  }
0x29a: {  	v14 =	vperm.xlane v7, v6;
	v10 =	vmul.f32 v11, v10;
	v11 =	vld [tilespmem:s9+$0x9840]  }
0x29b: {  	v15 =	vmul.f32 v19, v13;
	v19 =	vmul.f32 v19, v16;
	v20 =	vld [tilespmem:s9+$0x9C40]  }
0x29c: {  	v7 =	vadd.f32 v7, v14;
	v8 =	vadd.f32 v10, v8;
	v10 =	vmul.f32 v17, v16;
	v14 =	vld [tilespmem:s9+$0x11840]  }
0x29d: {  	s10 =	sadd.s32 $0x20, s10;
	v13 =	vmul.f32 v17, v13;
	v9 =	vmul.f32 v9, v18;
	v16 =	vld [tilespmem:s9+$0x11C40]  }
0x29e: {  	[tilespmem:s10+$0xFFFFFFF0] =	vst v7;
	v7 =	vld [tilespmem:s9+$0x1C30];
	v10 =	vadd.f32 v10, v15  }
0x29f: {  	v8 =	vadd.f32 v8, v9;
	v9 =	vsub.f32 v13, v19;
	v13 =	vld [tilespmem:s9+$0x1840]  }
0x2a0: {  	v10 =	vmul.f32 v10, v12;
	v12 =	vld [tilespmem:s9+$0x9850]  }
0x2a1: {  	v15 =	vmul.f32 v14, v11;
	v14 =	vmul.f32 v14, v20;
	v17 =	vld [tilespmem:s9+$0x9C50]  }
0x2a2: {  	v8 =	vadd.f32 v10, v8;
	v10 =	vmul.f32 v16, v20;
	v11 =	vmul.f32 v16, v11;
	v16 =	vld [tilespmem:s9+$0x11850]  }
0x2a3: {  	v7 =	vmul.f32 v9, v7;
	v9 =	vld [tilespmem:s9+$0x11C50]  }
0x2a4: {  	v18 =	vld [tilespmem:s9+$0x1C40];
	v10 =	vadd.f32 v10, v15;
	v11 =	vsub.f32 v11, v14  }
0x2a5: {  	v7 =	vadd.f32 v8, v7;
	v8 =	vld [tilespmem:s9+$0x1850]  }
0x2a6: {  	v10 =	vmul.f32 v10, v13;
	v19 =	vld [tilespmem:s9+$0x9860]  }
0x2a7: {  	v13 =	vmul.f32 v16, v12;
	v14 =	vmul.f32 v16, v17;
	v15 =	vld [tilespmem:s9+$0x9C60]  }
0x2a8: {  	v7 =	vadd.f32 v10, v7;
	v10 =	vmul.f32 v9, v17;
	v9 =	vmul.f32 v9, v12;
	v12 =	vld [tilespmem:s9+$0x11860]  }
0x2a9: {  	v11 =	vmul.f32 v11, v18;
	v16 =	vld [tilespmem:s9+$0x11C60]  }
0x2aa: {  	v17 =	vld [tilespmem:s9+$0x1C50];
	v10 =	vadd.f32 v10, v13;
	v18 =	vsub.f32 v9, v14  }
.Ltmp14:
0x2ab: {  	v11 =	vadd.f32 v7, v11;
	v7 =	vld [tilespmem:s9+$0x1860];
	(pc) =	sbr.rel @p0 .LBB2_19-.Ltmp14, $4  }
0x2ac: {  	v8 =	vmul.f32 v10, v8;
	v9 =	vld [tilespmem:s9+$0x9870]  }
0x2ad: {  	v13 =	vmul.f32 v12, v19;
	v12 =	vmul.f32 v12, v15;
	v10 =	vld [tilespmem:s9+$0x9C70]  }
0x2ae: {  	v14 =	vadd.f32 v8, v11;
	v15 =	vmul.f32 v16, v15;
	v16 =	vmul.f32 v16, v19;
	v8 =	vld [tilespmem:s9+$0x11870]  }
0x2af: {  	s12 =	sadd.s32 $0x100, s12;
	v17 =	vmul.f32 v18, v17;
	v11 =	vld [tilespmem:s9+$0x11C70]  }
0x2b0: {  	_ = 	snop  }
0x2b1: {  	v18 =	vld [tilespmem:s9+$0x1C60];
	v13 =	vadd.f32 v15, v13;
	_ =	sdelay $0x1  }
0x2b2: {  	v32 =	vld [tilespmem:s9+$0x1870];
	v14 =	vadd.f32 v14, v17;
	v7 =	vmul.f32 v13, v7  }
0x2b3: {  	v12 =	vsub.f32 v16, v12;
	v33 =	vmul.f32 v8, v9;
	v34 =	vmul.f32 v11, v10  }
0x2b4: {  	v35 =	vld [tilespmem:s9+$0x1C70];
	v8 =	vmul.f32 v8, v10;
	v7 =	vadd.f32 v7, v14  }
0x2b5: {  	v36 =	vmul.f32 v11, v9;
	v37 =	vmul.f32 v12, v18;
	v38 =	vadd.f32 v34, v33;
	_ =	sdelay $0x1  }
0x2b6: {  	v8 =	vsub.f32 v36, v8;
	v7 =	vadd.f32 v7, v37;
	v39 =	vmul.f32 v38, v32;
	_ =	sdelay $0x1  }
0x2b7: {  	v8 =	vmul.f32 v8, v35;
	v7 =	vadd.f32 v39, v7;
	_ =	sdelay $0x1  }
0x2b8: {  	v7 =	vadd.f32 v7, v8;
	_ =	sdelay $0x1  }
0x2b9: {  	v8 =	vperm.xlane v7, v3;
	_ =	sdelay $0x1  }
0x2ba: {  	v7 =	vadd.f32 v7, v8;
	_ =	sdelay $0x1  }
0x2bb: {  	v8 =	vperm.xlane v7, v4;
	_ =	sdelay $0x1  }
0x2bc: {  	v7 =	vadd.f32 v7, v8;
	_ =	sdelay $0x1  }
0x2bd: {  	v8 =	vperm.xlane v7, v5;
	_ =	sdelay $0x1  }
0x2be: {  	v7 =	vadd.f32 v7, v8;
	_ =	sdelay $0x1  }
0x2bf: {  	v8 =	vperm.xlane v7, v6;
	_ =	sdelay $0x1  }
0x2c0: {  	v7 =	vadd.f32 v7, v8;
	_ =	sdelay $0x1  }
0x2c1: {  	[tilespmem:s10+$0x0] =	vst v7  }
0x2c2: {  	v7 =	vld [tilespmem:$0x19A00]  }
0x2c3: {  	v8 =	vld [tilespmem:$0x19A10]  }
0x2c4: {  	v40 =	vld [tilespmem:$0x19A20]  }
0x2c5: {  	v41 =	vld [tilespmem:$0x19A30]  }
0x2c6: {  	v42 =	vld [tilespmem:$0x19A40]  }
0x2c7: {  	v43 =	vld [tilespmem:$0x19A50]  }
0x2c8: {  	v7 =	vsel vm1, v7, v8;
	v8 =	vld [tilespmem:$0x19A60]  }
0x2c9: {  	v44 =	vld [tilespmem:$0x19A70];
	v7 =	vsel vm2, v7, v40  }
0x2ca: {  	v45 =	vld [tilespmem:$0x19A80];
	v7 =	vsel vm3, v7, v41  }
0x2cb: {  	v46 =	vld [tilespmem:$0x19A90];
	v7 =	vsel vm4, v7, v42  }
0x2cc: {  	v47 =	vld [tilespmem:$0x19AA0];
	v7 =	vsel vm5, v7, v43  }
0x2cd: {  	v7 =	vsel vm6, v7, v8;
	v8 =	vld [tilespmem:$0x19AB0]  }
0x2ce: {  	v48 =	vld [tilespmem:$0x19AC0];
	v7 =	vsel vm7, v7, v44  }
0x2cf: {  	v49 =	vld [tilespmem:$0x19AD0];
	v7 =	vsel vm8, v7, v45  }
0x2d0: {  	v50 =	vld [tilespmem:$0x19AE0];
	v7 =	vsel vm9, v7, v46  }
0x2d1: {  	v51 =	vld [tilespmem:$0x19AF0];
	v7 =	vsel vm10, v7, v47  }
0x2d2: {  	v7 =	vsel vm11, v7, v8  }
0x2d3: {  	v7 =	vsel vm12, v7, v48  }
0x2d4: {  	v7 =	vsel vm13, v7, v49  }
0x2d5: {  	s7 =	sshll.u32 s8, $0x5;
	v7 =	vsel vm14, v7, v50  }
0x2d6: {  	s7 =	sand.u32 $0x3FFFFFE0, s7;
	v7 =	vsel vm15, v7, v51  }
0x2d7: {  	[tilespmem:s7+$0x19800] =	vst v7  }
0x2d8: {  	v7 =	vld [tilespmem:$0x19B00]  }
0x2d9: {  	v8 =	vld [tilespmem:$0x19B10]  }
0x2da: {  	v52 =	vld [tilespmem:$0x19B20]  }
0x2db: {  	v53 =	vld [tilespmem:$0x19B30]  }
0x2dc: {  	v54 =	vld [tilespmem:$0x19B40]  }
0x2dd: {  	v55 =	vld [tilespmem:$0x19B50]  }
0x2de: {  	v7 =	vsel vm1, v7, v8;
	v8 =	vld [tilespmem:$0x19B60]  }
0x2df: {  	v56 =	vld [tilespmem:$0x19B70];
	v7 =	vsel vm2, v7, v52  }
0x2e0: {  	v57 =	vld [tilespmem:$0x19B80];
	v7 =	vsel vm3, v7, v53  }
0x2e1: {  	v58 =	vld [tilespmem:$0x19B90];
	v7 =	vsel vm4, v7, v54  }
0x2e2: {  	v59 =	vld [tilespmem:$0x19BA0];
	v7 =	vsel vm5, v7, v55  }
0x2e3: {  	v7 =	vsel vm6, v7, v8;
	v8 =	vld [tilespmem:$0x19BB0]  }
0x2e4: {  	v60 =	vld [tilespmem:$0x19BC0];
	v7 =	vsel vm7, v7, v56  }
0x2e5: {  	v61 =	vld [tilespmem:$0x19BD0];
	v7 =	vsel vm8, v7, v57  }
0x2e6: {  	v62 =	vld [tilespmem:$0x19BE0];
	v7 =	vsel vm9, v7, v58  }
0x2e7: {  	s8 =	sadd.s32 $0x1, s8;
	v63 =	vld [tilespmem:$0x19BF0];
	v7 =	vsel vm10, v7, v59  }
0x2e8: {  	p0 =	sne.s32 s8, $0x10;
	v7 =	vsel vm11, v7, v8  }
.Ltmp15:
0x2e9: {  	v7 =	vsel vm12, v7, v60;
	(pc) =	sbr.rel @p0 .LBB2_2-.Ltmp15, $4  }
.Ltmp16:
0x2ea: {  	v7 =	vsel vm13, v7, v61;
	(pc) =	sbr.rel @!p0 .LBB2_21-.Ltmp16, $4  }
0x2eb: {  	v7 =	vsel vm14, v7, v62  }
0x2ec: {  	v7 =	vsel vm15, v7, v63  }
0x2ed: {  	s13 =	sadd.s32 $0x2000, s13;
	[tilespmem:s7+$0x19810] =	vst v7  }
0x2ee: {  	_ = 	snop  }
.LBB2_10:
0x2ef: {  	p2 =	seq.s32 s7, $0x1  }
.Ltmp17:
0x2f0: {  	_ = 	snop;
	(pc) =	sbr.rel @p2 .LBB2_13-.Ltmp17, $2  }
0x2f1: {  	_ =	sdelay $0x2  }
0x2f2: {  	p1 =	seq.s32 s7, $0x2;
	p0 =	seq.s32 s7, $0x3  }
0x2f3: {  	p3 =	sne.s32 s7, $0x0  }
.Ltmp18:
0x2f4: {  	_ = 	snop;
	(pc) =	sbr.rel @!p3 .LBB2_12-.Ltmp18, $4  }
.Ltmp19:
0x2f5: {  	_ = 	snop;
	(pc) =	sbr.rel @p3 .LBB2_15-.Ltmp19, $4  }
0x2f6: {  	_ = 	snop  }
0x2f7: {  	_ = 	snop  }
0x2f8: {  	_ = 	snop  }
0x2f9: {  	_ = 	snop  }
.LBB2_22:
0x2fa: {  	_ =	sfence.sel $0x180000  }
0x2fb: {  	[bflag:$0x0] =	sbarrier.arrive $0xFFFF  }
0x2fc: {  	_ =	strace $0x90000047  }
0x2fd: {  	s0 =	stileid.u32;
	[bflag:$0x2] =	sbarrier.arrive $0xFFFF  }
0x2fe: {  	p0 =	sne.s32 s0, $0x0;
	s0 =	rddreg [dreg:$0x3]  }
0x2ff: {  	s0 =	sadd.s32 @!p0 $0x100000, s0  }
0x300: {  	[sflag:s0] =	ssyncadd.tile.s32 @!p0 $0x1;
	_ =	shalt  }
.Lfunc_end2:
_tile_overlayer_lowered:
.L_overlay_start_2:
0x301: {  	(tag) =	ssettag $0x2  }
0x302: {  	s0 =	rddreg [dreg:$0x0];
	s2 =	stileid.u32  }
0x303: {  	s1 =	rddreg [dreg:$0x1];
	p0 =	sne.s32 s2, $0x0  }
0x304: {  	s3 =	rddreg [dreg:$0x2];
	[bflag:$0x3] =	sbarrier.arrive $0xFFFF;
	s2 =	simm.s32 @!p0 $0x1C05  }
0x305: {  	[timem:s3], [sflag:s2] =	dma.local @!p0 [hbm:s0], s1  }
0x306: {  	s0 =	simm.s32 @!p0 $0x5  }
0x307: {  	_ =	swait.ge @!p0 [sflag:s0], s1  }
0x308: {  	s1 =	ssub.s32 @!p0 $0x0, s1;
	[sflag:s0] =	ssyncset.done @!p0 $0x0  }
0x309: {  	[sflag:s0] =	ssyncadd.s32 @!p0 s1  }
0x30a: {  	[bflag:$0x3] =	sbarrier.arrive $0xFFFF  }
0x30b: {  	_ =	shalt  }

</sc_bundles>
